<compile_context>
chip_gen: v7x
topology: tpu7x:2x2x1
jax: 0.10.2.dev20260603
libtpu: 0.0.44.dev20260713+nightly
codegen_flags: <defaults>
</compile_context>

<pallas_src>
import math

import jax
import jax.numpy as jnp
from jax.experimental import pallas as pl
from jax.experimental.pallas import tpu as pltpu
from jax.experimental.pallas import tpu_sc as plsc

_NF = 16
_LAT = 3.0
_K = 16
_BLK = 512
_SC_LANES = 16


def _topk_body(qx_ref, qy_ref, px_ref, py_ref, idx_ref, gidx_ref):
    b = pl.program_id(0)
    j = pl.program_id(1)
    blk = qx_ref.shape[1]
    L = px_ref.shape[2]
    qx = qx_ref[0]
    qy = qy_ref[0]
    px = px_ref[0]
    py = py_ref[0]
    dx = qx - px
    dy = qy - py
    d2 = dx * dx + dy * dy
    colf = jax.lax.broadcasted_iota(jnp.int32, (blk, L), 1).astype(jnp.float32)
    rowgf = (j * blk + jax.lax.broadcasted_iota(jnp.int32, (blk, L), 0)
             ).astype(jnp.float32)
    inf = jnp.float32(jnp.inf)
    Lf = jnp.float32(L)
    work = jnp.where(colf == rowgf, inf, d2)
    H = L // 2
    Hf = jnp.float32(H)
    colh = jax.lax.broadcasted_iota(jnp.int32, (blk, H), 1).astype(jnp.float32)
    A = work[:, :H]
    B = work[:, H:]
    aLE = A <= B
    w1 = jnp.minimum(A, B)
    w2 = jnp.maximum(A, B)
    fidx = jnp.where(aLE, colh, colh + Hf)
    sidx = jnp.where(aLE, colh + Hf, colh)
    idxs = []
    for _ in range(_K):
        m = jnp.min(w1, axis=1, keepdims=True)
        amf = jnp.min(jnp.where(w1 == m, fidx, Lf), axis=1, keepdims=True)
        hit = fidx == amf
        w1 = jnp.where(hit, w2, w1)
        fidx = jnp.where(hit, sidx, fidx)
        w2 = jnp.where(hit, inf, w2)
        idxs.append(amf)
    idx = jnp.concatenate(idxs, axis=1).astype(jnp.int32)
    idx_ref[0] = idx
    gidx_ref[0] = idx + b * L


def _gather_body(gidx_hbm, pxf_hbm, pyf_hbm, nx_hbm, ny_hbm,
                 idx_v, px_v, py_v, nx_v, ny_v):
    wid = jax.lax.axis_index("s") * 2 + jax.lax.axis_index("c")
    n_per = idx_v.shape[0]
    base = wid * n_per
    pltpu.sync_copy(gidx_hbm.at[pl.ds(base, n_per)], idx_v)
    pltpu.sync_copy(pxf_hbm, px_v)
    pltpu.sync_copy(pyf_hbm, py_v)

    def body(i, carry):
        off = pl.multiple_of(i * _SC_LANES, _SC_LANES)
        iv = idx_v[pl.ds(off, _SC_LANES)]
        nx_v[pl.ds(off, _SC_LANES)] = plsc.load_gather(px_v, [iv])
        ny_v[pl.ds(off, _SC_LANES)] = plsc.load_gather(py_v, [iv])
        return carry

    jax.lax.fori_loop(0, n_per // _SC_LANES, body, 0)
    pltpu.sync_copy(nx_v, nx_hbm.at[pl.ds(base, n_per)])
    pltpu.sync_copy(ny_v, ny_hbm.at[pl.ds(base, n_per)])


def _rpe_body(qx_ref, qy_ref, nx_ref, ny_ref, sel_ref, fo_ref, rpe_ref, dst_ref):
    qx = qx_ref[0]
    qy = qy_ref[0]
    nx = nx_ref[0]
    ny = ny_ref[0]
    dxk = nx - qx
    dyk = ny - qy
    dst_ref[0] = jnp.sqrt(dxk * dxk + dyk * dyk + 1e-8)
    dxy = jnp.concatenate([dxk, dyk], axis=1)
    d_flat = jax.lax.dot_general(
        dxy, sel_ref[...],
        (((1,), (0,)), ((), ())),
        precision=jax.lax.Precision.HIGHEST,
        preferred_element_type=jnp.float32)
    fo = fo_ref[...]
    phases = d_flat * fo[0:1, :] + fo[1:2, :]
    rpe_ref[0] = jnp.sin(phases)


def kernel(positions, k):
    B, L, _ = positions.shape
    k_static = min(_K, L - 1)
    physical_scale = _LAT * math.sqrt(k_static / math.pi)
    freqs = (2.0 ** jnp.arange(_NF, dtype=jnp.float32)) * (math.pi / physical_scale)
    px = positions[:, :, 0]
    py = positions[:, :, 1]
    pxq = px.reshape(B, L, 1)
    pyq = py.reshape(B, L, 1)
    pxr = px.reshape(B, 1, L)
    pyr = py.reshape(B, 1, L)
    grid = (B, L // _BLK)

    idx, gidx = pl.pallas_call(
        _topk_body, grid=grid,
        in_specs=[
            pl.BlockSpec((1, _BLK, 1), lambda b, j: (b, j, 0)),
            pl.BlockSpec((1, _BLK, 1), lambda b, j: (b, j, 0)),
            pl.BlockSpec((1, 1, L), lambda b, j: (b, 0, 0)),
            pl.BlockSpec((1, 1, L), lambda b, j: (b, 0, 0)),
        ],
        out_specs=(
            pl.BlockSpec((1, _BLK, _K), lambda b, j: (b, j, 0)),
            pl.BlockSpec((1, _BLK, _K), lambda b, j: (b, j, 0)),
        ),
        out_shape=(
            jax.ShapeDtypeStruct((B, L, _K), jnp.int32),
            jax.ShapeDtypeStruct((B, L, _K), jnp.int32),
        ))(pxq, pyq, pxr, pyr)

    N = B * L * _K
    n_per = N // 32
    mesh = plsc.VectorSubcoreMesh(core_axis_name="c", subcore_axis_name="s")
    nxf, nyf = pl.kernel(
        _gather_body,
        out_type=(
            jax.ShapeDtypeStruct((N,), jnp.float32),
            jax.ShapeDtypeStruct((N,), jnp.float32),
        ),
        mesh=mesh,
        compiler_params=pltpu.CompilerParams(needs_layout_passes=False),
        scratch_types=[
            pltpu.VMEM((n_per,), jnp.int32),
            pltpu.VMEM((B * L,), jnp.float32),
            pltpu.VMEM((B * L,), jnp.float32),
            pltpu.VMEM((n_per,), jnp.float32),
            pltpu.VMEM((n_per,), jnp.float32),
        ],
    )(gidx.reshape(N), px.reshape(B * L), py.reshape(B * L))
    nxk = nxf.reshape(B, L, _K)
    nyk = nyf.reshape(B, L, _K)

    F = 4 * _NF * _K
    lane = jnp.arange(F, dtype=jnp.int32)
    kk = lane // (4 * _NF)
    cl = lane % (4 * _NF)
    grp = cl // _NF
    aa = cl % _NF
    src_col = jnp.where(grp < 2, kk, _K + kk)
    sel = (src_col[None, :] == jnp.arange(2 * _K, dtype=jnp.int32)[:, None]
           ).astype(jnp.float32)
    fmul = freqs[aa]
    foff = jnp.where((grp % 2) == 1, jnp.float32(math.pi / 2), 0.0)
    fo = jnp.stack([fmul, foff], axis=0)

    rpe_flat, dst = pl.pallas_call(
        _rpe_body, grid=grid,
        in_specs=[
            pl.BlockSpec((1, _BLK, 1), lambda b, j: (b, j, 0)),
            pl.BlockSpec((1, _BLK, 1), lambda b, j: (b, j, 0)),
            pl.BlockSpec((1, _BLK, _K), lambda b, j: (b, j, 0)),
            pl.BlockSpec((1, _BLK, _K), lambda b, j: (b, j, 0)),
            pl.BlockSpec((2 * _K, F), lambda b, j: (0, 0)),
            pl.BlockSpec((2, F), lambda b, j: (0, 0)),
        ],
        out_specs=(
            pl.BlockSpec((1, _BLK, F), lambda b, j: (b, j, 0)),
            pl.BlockSpec((1, _BLK, _K), lambda b, j: (b, j, 0)),
        ),
        out_shape=(
            jax.ShapeDtypeStruct((B, L, F), jnp.float32),
            jax.ShapeDtypeStruct((B, L, _K), jnp.float32),
        ))(pxq, pyq, nxk, nyk, sel, fo)
    rpe = rpe_flat.reshape(B, L, _K, 4 * _NF)

    neighbor_positions = jnp.stack([nxk, nyk], axis=-1)
    pat = jnp.concatenate([
        jnp.zeros((_NF,), jnp.float32), jnp.ones((_NF,), jnp.float32),
        jnp.zeros((_NF,), jnp.float32), jnp.ones((_NF,), jnp.float32)])
    self_rpe = jnp.broadcast_to(pat, (B, L, 1, 4 * _NF))
    return (idx, rpe, self_rpe, dst, neighbor_positions)

# --- scband reference (transcript-rebuilt; emitter-appended) ---
"""Pipeline reference for scband-local-attention-cache-26774826123568 (READ-ONLY COPY).

The authoritative reference and input builder live on the scoring server;
editing this copy changes nothing except your own understanding.
"""

import jax, jax.numpy as jnp
import numpy as np
import math

NUM_FREQS = 16
LATENT_SPACING = 3.0


def pos_encoder(dx, dy, physical_scale):
    # Sinusoidal relative position encoding: pe_dim = 4 * NUM_FREQS = 64
    freqs = (2.0 ** jnp.arange(NUM_FREQS, dtype=jnp.float32)) * (math.pi / physical_scale)
    fx = dx[..., None] * freqs
    fy = dy[..., None] * freqs
    return jnp.concatenate([jnp.sin(fx), jnp.cos(fx), jnp.sin(fy), jnp.cos(fy)], axis=-1)


def setup_inputs(seed: int = 0) -> dict:
    key = jax.random.key(seed)
    positions = jax.random.normal(key, (4, 2048, 2), dtype=jnp.float32)
    return {"positions": positions, "k": 16}


def reference(positions, k):
    B, L, _ = positions.shape
    k_static = min(16, L - 1)
    physical_scale = LATENT_SPACING * math.sqrt(k_static / math.pi)

    # kNN computed without gradient (torch.no_grad equivalent)
    pos_ng = jax.lax.stop_gradient(positions)
    diff_all = pos_ng[:, :, None, :] - pos_ng[:, None, :, :]            # [B, L, L, 2]
    dist_sq_all = jnp.sum(diff_all ** 2, axis=-1)                        # [B, L, L]
    eye = jnp.eye(L, dtype=bool)
    dist_sq_all = jnp.where(eye[None, :, :], jnp.inf, dist_sq_all)
    _, topk_indices = jax.lax.top_k(-dist_sq_all, k_static)              # smallest-k -> [B, L, k]
    topk_indices = topk_indices + (jnp.minimum(k, L - 1) * 0).astype(topk_indices.dtype)

    # Gather neighbor positions
    neighbor_positions = jax.vmap(lambda p, i: p[i])(positions, topk_indices)  # [B, L, k, 2]

    delta = neighbor_positions - positions[:, :, None, :]
    delta_x = delta[..., 0]
    delta_y = delta[..., 1]
    distances = jnp.sqrt(delta_x ** 2 + delta_y ** 2 + 1e-08)

    rpe = pos_encoder(delta_x, delta_y, physical_scale)                  # [B, L, k, 64]

    zeros = jnp.zeros((B, L, 1), dtype=positions.dtype)
    self_rpe = pos_encoder(zeros, zeros, physical_scale)                 # [B, L, 1, 64]

    return (topk_indices, rpe, self_rpe, distances, neighbor_positions)

if __name__ == "__main__":
    import jax
    _d = setup_inputs()
    print(jax.jit(kernel)(*tuple(_d.values())))

</pallas_src>

<mosaic_0001>
#map = affine_map<(d0, d1) -> (0)>
module attributes {stable_mosaic.version = 14 : i64} {
  func.func @_gather_body(%arg0: i32, %arg1: i32, %arg2: memref<131072xi32, #tpu.memory_space<hbm>>, %arg3: memref<8192xf32, #tpu.memory_space<hbm>>, %arg4: memref<8192xf32, #tpu.memory_space<hbm>>, %arg5: memref<131072xf32, #tpu.memory_space<hbm>>, %arg6: memref<131072xf32, #tpu.memory_space<hbm>>, %arg7: memref<4096xi32, #tpu.memory_space<vmem>>, %arg8: memref<8192xf32, #tpu.memory_space<vmem>>, %arg9: memref<8192xf32, #tpu.memory_space<vmem>>, %arg10: memref<4096xf32, #tpu.memory_space<vmem>>, %arg11: memref<4096xf32, #tpu.memory_space<vmem>>) attributes {dimension_semantics = [#tpu.dimension_semantics<core_parallel>, #tpu.dimension_semantics<subcore_parallel>], iteration_bounds = array<i64: 2, 16>, scalar_prefetch = 0 : i64, scratch_operands = 5 : i64, tpu.core_type = #tpu.core_type<sc_vector_subcore>, window_params = [{transform_indices = #map}, {transform_indices = #map}, {transform_indices = #map}, {transform_indices = #map}, {transform_indices = #map}]} {
    %mul3A = arith.constant 2 : i32
    %mul3A_0 = arith.muli %arg1, %mul3A : i32
    %add3A = arith.addi %mul3A_0, %arg0 : i32
    %mul3A_1 = arith.constant 4096 : i32
    %mul3A_2 = arith.muli %add3A, %mul3A_1 : i32
    "tpu.region"() ({
      %run_scoped3A = tpu.sem_alloc : memref<!tpu.dma_semaphore, #tpu.memory_space<semaphore_mem>>
      %dma_start3A = tpu.memref_slice %arg2[%mul3A_2] : memref<131072xi32, #tpu.memory_space<hbm>> -> memref<4096xi32, #tpu.memory_space<hbm>>
      %dma_start3A_8 = tpu.memref_slice %arg2[%mul3A_2] : memref<131072xi32, #tpu.memory_space<hbm>> -> memref<4096xi32, #tpu.memory_space<hbm>>
      tpu.enqueue_dma source(%dma_start3A_8 : memref<4096xi32, #tpu.memory_space<hbm>>) target(%arg7 : memref<4096xi32, #tpu.memory_space<vmem>>) target_semaphore(%run_scoped3A : memref<!tpu.dma_semaphore, #tpu.memory_space<semaphore_mem>>)
      %dma_wait3A = tpu.memref_slice %arg2[%mul3A_2] : memref<131072xi32, #tpu.memory_space<hbm>> -> memref<4096xi32, #tpu.memory_space<hbm>>
      %dma_wait3A_9 = tpu.memref_slice %arg2[%mul3A_2] : memref<131072xi32, #tpu.memory_space<hbm>> -> memref<4096xi32, #tpu.memory_space<hbm>>
      tpu.wait_dma2 semaphore(%run_scoped3A : memref<!tpu.dma_semaphore, #tpu.memory_space<semaphore_mem>>) src(%dma_wait3A_9 : memref<4096xi32, #tpu.memory_space<hbm>>) dst(%arg7 : memref<4096xi32, #tpu.memory_space<vmem>>)
      tpu.yield
    }) : () -> ()
    "tpu.region"() ({
      %run_scoped3A = tpu.sem_alloc : memref<!tpu.dma_semaphore, #tpu.memory_space<semaphore_mem>>
      tpu.enqueue_dma source(%arg3 : memref<8192xf32, #tpu.memory_space<hbm>>) target(%arg8 : memref<8192xf32, #tpu.memory_space<vmem>>) target_semaphore(%run_scoped3A : memref<!tpu.dma_semaphore, #tpu.memory_space<semaphore_mem>>)
      tpu.wait_dma2 semaphore(%run_scoped3A : memref<!tpu.dma_semaphore, #tpu.memory_space<semaphore_mem>>) src(%arg3 : memref<8192xf32, #tpu.memory_space<hbm>>) dst(%arg8 : memref<8192xf32, #tpu.memory_space<vmem>>)
      tpu.yield
    }) : () -> ()
    "tpu.region"() ({
      %run_scoped3A = tpu.sem_alloc : memref<!tpu.dma_semaphore, #tpu.memory_space<semaphore_mem>>
      tpu.enqueue_dma source(%arg4 : memref<8192xf32, #tpu.memory_space<hbm>>) target(%arg9 : memref<8192xf32, #tpu.memory_space<vmem>>) target_semaphore(%run_scoped3A : memref<!tpu.dma_semaphore, #tpu.memory_space<semaphore_mem>>)
      tpu.wait_dma2 semaphore(%run_scoped3A : memref<!tpu.dma_semaphore, #tpu.memory_space<semaphore_mem>>) src(%arg4 : memref<8192xf32, #tpu.memory_space<hbm>>) dst(%arg9 : memref<8192xf32, #tpu.memory_space<vmem>>)
      tpu.yield
    }) : () -> ()
    %scan3A = arith.constant 0 : i32
    %scan3A_3 = arith.constant 0 : i32
    %scan3A_4 = arith.constant 256 : i32
    %scan3A_5 = arith.addi %scan3A_3, %scan3A_4 : i32
    %scan3A_6 = arith.constant 1 : i32
    scf.for %scan3A_8 = %scan3A_3 to %scan3A_5 step %scan3A_6  : i32 {
      %mul3A_9 = arith.constant 16 : i32
      %mul3A_10 = arith.muli %scan3A_8, %mul3A_9 : i32
      %multiple_of3A = tpu.assume_multiple %mul3A_10, 16 : i32
      %get3A = arith.index_cast %multiple_of3A : i32 to index
      %get3A_11 = tpu.vector_load %arg7[%get3A] {strides = array<i32>} : memref<4096xi32, #tpu.memory_space<vmem>>, vector<16xi32>,
      %gather3A = tpu.vector_load_idx %arg8[%get3A_11] : memref<8192xf32, #tpu.memory_space<vmem>>[vector<16xi32>], vector<16xf32>,
      %swap3A = arith.index_cast %multiple_of3A : i32 to index
      %swap3A_12 = tpu.vector_load %arg10[%swap3A] {strides = array<i32>} : memref<4096xf32, #tpu.memory_space<vmem>>, vector<16xf32>,
      tpu.vector_store %arg10[%swap3A], %gather3A {strides = array<i32>} : memref<4096xf32, #tpu.memory_space<vmem>>, vector<16xf32>,
      %gather3A_13 = tpu.vector_load_idx %arg9[%get3A_11] : memref<8192xf32, #tpu.memory_space<vmem>>[vector<16xi32>], vector<16xf32>,
      %swap3A_14 = arith.index_cast %multiple_of3A : i32 to index
      %swap3A_15 = tpu.vector_load %arg11[%swap3A_14] {strides = array<i32>} : memref<4096xf32, #tpu.memory_space<vmem>>, vector<16xf32>,
      tpu.vector_store %arg11[%swap3A_14], %gather3A_13 {strides = array<i32>} : memref<4096xf32, #tpu.memory_space<vmem>>, vector<16xf32>,
    }
    %scan3A_7 = arith.constant 256 : i32
    "tpu.region"() ({
      %run_scoped3A = tpu.sem_alloc : memref<!tpu.dma_semaphore, #tpu.memory_space<semaphore_mem>>
      %dma_start3A = tpu.memref_slice %arg5[%mul3A_2] : memref<131072xf32, #tpu.memory_space<hbm>> -> memref<4096xf32, #tpu.memory_space<hbm>>
      %dma_start3A_8 = tpu.memref_slice %arg5[%mul3A_2] : memref<131072xf32, #tpu.memory_space<hbm>> -> memref<4096xf32, #tpu.memory_space<hbm>>
      tpu.enqueue_dma source(%arg10 : memref<4096xf32, #tpu.memory_space<vmem>>) target(%dma_start3A_8 : memref<4096xf32, #tpu.memory_space<hbm>>) target_semaphore(%run_scoped3A : memref<!tpu.dma_semaphore, #tpu.memory_space<semaphore_mem>>)
      %dma_wait3A = tpu.memref_slice %arg5[%mul3A_2] : memref<131072xf32, #tpu.memory_space<hbm>> -> memref<4096xf32, #tpu.memory_space<hbm>>
      %dma_wait3A_9 = tpu.memref_slice %arg5[%mul3A_2] : memref<131072xf32, #tpu.memory_space<hbm>> -> memref<4096xf32, #tpu.memory_space<hbm>>
      tpu.wait_dma2 semaphore(%run_scoped3A : memref<!tpu.dma_semaphore, #tpu.memory_space<semaphore_mem>>) src(%arg10 : memref<4096xf32, #tpu.memory_space<vmem>>) dst(%dma_wait3A_9 : memref<4096xf32, #tpu.memory_space<hbm>>)
      tpu.yield
    }) : () -> ()
    "tpu.region"() ({
      %run_scoped3A = tpu.sem_alloc : memref<!tpu.dma_semaphore, #tpu.memory_space<semaphore_mem>>
      %dma_start3A = tpu.memref_slice %arg6[%mul3A_2] : memref<131072xf32, #tpu.memory_space<hbm>> -> memref<4096xf32, #tpu.memory_space<hbm>>
      %dma_start3A_8 = tpu.memref_slice %arg6[%mul3A_2] : memref<131072xf32, #tpu.memory_space<hbm>> -> memref<4096xf32, #tpu.memory_space<hbm>>
      tpu.enqueue_dma source(%arg11 : memref<4096xf32, #tpu.memory_space<vmem>>) target(%dma_start3A_8 : memref<4096xf32, #tpu.memory_space<hbm>>) target_semaphore(%run_scoped3A : memref<!tpu.dma_semaphore, #tpu.memory_space<semaphore_mem>>)
      %dma_wait3A = tpu.memref_slice %arg6[%mul3A_2] : memref<131072xf32, #tpu.memory_space<hbm>> -> memref<4096xf32, #tpu.memory_space<hbm>>
      %dma_wait3A_9 = tpu.memref_slice %arg6[%mul3A_2] : memref<131072xf32, #tpu.memory_space<hbm>> -> memref<4096xf32, #tpu.memory_space<hbm>>
      tpu.wait_dma2 semaphore(%run_scoped3A : memref<!tpu.dma_semaphore, #tpu.memory_space<semaphore_mem>>) src(%arg11 : memref<4096xf32, #tpu.memory_space<vmem>>) dst(%dma_wait3A_9 : memref<4096xf32, #tpu.memory_space<hbm>>)
      tpu.yield
    }) : () -> ()
    return
  }
}

module attributes {stable_mosaic.version = 14 : i64} {
  func.func @_topk_body(%arg0: i32, %arg1: i32, %arg2: memref<1x512x1xf32, #tpu.memory_space<vmem>>, %arg3: memref<1x512x1xf32, #tpu.memory_space<vmem>>, %arg4: memref<1x1x2048xf32, #tpu.memory_space<vmem>>, %arg5: memref<1x1x2048xf32, #tpu.memory_space<vmem>>, %arg6: memref<1x512x16xi32, #tpu.memory_space<vmem>>, %arg7: memref<1x512x16xi32, #tpu.memory_space<vmem>>) attributes {dimension_semantics = [#tpu.dimension_semantics<arbitrary>, #tpu.dimension_semantics<arbitrary>], iteration_bounds = array<i64: 4, 4>, scalar_prefetch = 0 : i64, scratch_operands = 0 : i64, tpu.core_type = #tpu.core_type<tc>, window_params = [{transform_indices = @transform_0, window_bounds = array<i64: 1, 512, 1>}, {transform_indices = @transform_1, window_bounds = array<i64: 1, 512, 1>}, {transform_indices = @transform_2, window_bounds = array<i64: 1, 1, 2048>}, {transform_indices = @transform_3, window_bounds = array<i64: 1, 1, 2048>}, {transform_indices = @transform_4, window_bounds = array<i64: 1, 512, 16>}, {transform_indices = @transform_5, window_bounds = array<i64: 1, 512, 16>}]} {
    %get3A = arith.constant 0 : index
    %get3A_0 = arith.constant 0 : index
    %get3A_1 = arith.constant 0 : index
    %get3A_2 = vector.load %arg2[%get3A, %get3A_0, %get3A_1] : memref<1x512x1xf32, #tpu.memory_space<vmem>>, vector<1x512x1xf32>
    %get3A_3 = vector.shape_cast %get3A_2 : vector<1x512x1xf32> to vector<512x1xf32>
    %get3A_4 = arith.constant 0 : index
    %get3A_5 = arith.constant 0 : index
    %get3A_6 = arith.constant 0 : index
    %get3A_7 = vector.load %arg3[%get3A_4, %get3A_5, %get3A_6] : memref<1x512x1xf32, #tpu.memory_space<vmem>>, vector<1x512x1xf32>
    %get3A_8 = vector.shape_cast %get3A_7 : vector<1x512x1xf32> to vector<512x1xf32>
    %get3A_9 = arith.constant 0 : index
    %get3A_10 = arith.constant 0 : index
    %get3A_11 = arith.constant 0 : index
    %get3A_12 = vector.load %arg4[%get3A_9, %get3A_10, %get3A_11] : memref<1x1x2048xf32, #tpu.memory_space<vmem>>, vector<1x1x2048xf32>
    %get3A_13 = vector.shape_cast %get3A_12 : vector<1x1x2048xf32> to vector<1x2048xf32>
    %get3A_14 = arith.constant 0 : index
    %get3A_15 = arith.constant 0 : index
    %get3A_16 = arith.constant 0 : index
    %get3A_17 = vector.load %arg5[%get3A_14, %get3A_15, %get3A_16] : memref<1x1x2048xf32, #tpu.memory_space<vmem>>, vector<1x1x2048xf32>
    %get3A_18 = vector.shape_cast %get3A_17 : vector<1x1x2048xf32> to vector<1x2048xf32>
    %sub3A = vector.broadcast %get3A_3 : vector<512x1xf32> to vector<512x2048xf32>
    %sub3A_19 = vector.broadcast %get3A_13 : vector<1x2048xf32> to vector<512x2048xf32>
    %sub3A_20 = arith.subf %sub3A, %sub3A_19 : vector<512x2048xf32>
    %sub3A_21 = vector.broadcast %get3A_8 : vector<512x1xf32> to vector<512x2048xf32>
    %sub3A_22 = vector.broadcast %get3A_18 : vector<1x2048xf32> to vector<512x2048xf32>
    %sub3A_23 = arith.subf %sub3A_21, %sub3A_22 : vector<512x2048xf32>
    %mul3A = arith.mulf %sub3A_20, %sub3A_20 : vector<512x2048xf32>
    %mul3A_24 = arith.mulf %sub3A_23, %sub3A_23 : vector<512x2048xf32>
    %add3A = arith.addf %mul3A, %mul3A_24 : vector<512x2048xf32>
    %iota3A = tpu.iota {dimensions = array<i32: 1>} : vector<512x2048xi32>
    %convert_element_type3A = arith.sitofp %iota3A : vector<512x2048xi32> to vector<512x2048xf32>
    %mul3A_25 = arith.constant 512 : i32
    %mul3A_26 = arith.muli %arg1, %mul3A_25 : i32
    %iota3A_27 = tpu.iota {dimensions = array<i32: 0>} : vector<512x2048xi32>
    %add3A_28 = vector.broadcast %mul3A_26 : i32 to vector<512x2048xi32>
    %add3A_29 = arith.addi %add3A_28, %iota3A_27 : vector<512x2048xi32>
    %convert_element_type3A_30 = arith.sitofp %add3A_29 : vector<512x2048xi32> to vector<512x2048xf32>
    %eq3A = arith.cmpf oeq, %convert_element_type3A, %convert_element_type3A_30 : vector<512x2048xf32>
    %jit3A = arith.constant 0x7F800000 : f32
    %broadcast_in_dim3A = vector.broadcast %jit3A : f32 to vector<512x2048xf32>
    %select_n3A = arith.select %eq3A, %broadcast_in_dim3A, %add3A : vector<512x2048xi1>, vector<512x2048xf32>
    %iota3A_31 = tpu.iota {dimensions = array<i32: 1>} : vector<512x1024xi32>
    %convert_element_type3A_32 = arith.sitofp %iota3A_31 : vector<512x1024xi32> to vector<512x1024xf32>
    %slice3A = vector.extract_strided_slice %select_n3A {offsets = [0, 0], sizes = [512, 1024], strides = [1, 1]} : vector<512x2048xf32> to vector<512x1024xf32>
    %slice3A_33 = vector.extract_strided_slice %select_n3A {offsets = [0, 1024], sizes = [512, 1024], strides = [1, 1]} : vector<512x2048xf32> to vector<512x1024xf32>
    %le3A = arith.cmpf ole, %slice3A, %slice3A_33 : vector<512x1024xf32>
    %min3A = arith.minimumf %slice3A, %slice3A_33 : vector<512x1024xf32>
    %max3A = arith.maximumf %slice3A, %slice3A_33 : vector<512x1024xf32>
    %add3A_34 = arith.constant 1.024000e+03 : f32
    %add3A_35 = vector.broadcast %add3A_34 : f32 to vector<512x1024xf32>
    %add3A_36 = arith.addf %convert_element_type3A_32, %add3A_35 : vector<512x1024xf32>
    %select_n3A_37 = arith.select %le3A, %convert_element_type3A_32, %add3A_36 : vector<512x1024xi1>, vector<512x1024xf32>
    %add3A_38 = arith.constant 1.024000e+03 : f32
    %add3A_39 = vector.broadcast %add3A_38 : f32 to vector<512x1024xf32>
    %add3A_40 = arith.addf %convert_element_type3A_32, %add3A_39 : vector<512x1024xf32>
    %select_n3A_41 = arith.select %le3A, %add3A_40, %convert_element_type3A_32 : vector<512x1024xi1>, vector<512x1024xf32>
    %reduce_min3A = arith.constant dense<0x7F800000> : vector<512xf32>
    %reduce_min3A_42 = vector.multi_reduction <minimumf>, %min3A, %reduce_min3A [1] : vector<512x1024xf32> to vector<512xf32>
    %broadcast_in_dim3A_43 = vector.shape_cast %reduce_min3A_42 : vector<512xf32> to vector<512x1xf32>
    %eq3A_44 = vector.broadcast %broadcast_in_dim3A_43 : vector<512x1xf32> to vector<512x1024xf32>
    %eq3A_45 = arith.cmpf oeq, %min3A, %eq3A_44 : vector<512x1024xf32>
    %jit3A_46 = arith.constant 2.048000e+03 : f32
    %broadcast_in_dim3A_47 = vector.broadcast %jit3A_46 : f32 to vector<512x1024xf32>
    %select_n3A_48 = arith.select %eq3A_45, %select_n3A_37, %broadcast_in_dim3A_47 : vector<512x1024xi1>, vector<512x1024xf32>
    %reduce_min3A_49 = arith.constant dense<0x7F800000> : vector<512xf32>
    %reduce_min3A_50 = vector.multi_reduction <minimumf>, %select_n3A_48, %reduce_min3A_49 [1] : vector<512x1024xf32> to vector<512xf32>
    %broadcast_in_dim3A_51 = vector.shape_cast %reduce_min3A_50 : vector<512xf32> to vector<512x1xf32>
    %eq3A_52 = vector.broadcast %broadcast_in_dim3A_51 : vector<512x1xf32> to vector<512x1024xf32>
    %eq3A_53 = arith.cmpf oeq, %select_n3A_37, %eq3A_52 : vector<512x1024xf32>
    %select_n3A_54 = arith.select %eq3A_53, %max3A, %min3A : vector<512x1024xi1>, vector<512x1024xf32>
    %select_n3A_55 = arith.select %eq3A_53, %select_n3A_41, %select_n3A_37 : vector<512x1024xi1>, vector<512x1024xf32>
    %jit3A_56 = arith.constant 0x7F800000 : f32
    %broadcast_in_dim3A_57 = vector.broadcast %jit3A_56 : f32 to vector<512x1024xf32>
    %select_n3A_58 = arith.select %eq3A_53, %broadcast_in_dim3A_57, %max3A : vector<512x1024xi1>, vector<512x1024xf32>
    %reduce_min3A_59 = arith.constant dense<0x7F800000> : vector<512xf32>
    %reduce_min3A_60 = vector.multi_reduction <minimumf>, %select_n3A_54, %reduce_min3A_59 [1] : vector<512x1024xf32> to vector<512xf32>
    %broadcast_in_dim3A_61 = vector.shape_cast %reduce_min3A_60 : vector<512xf32> to vector<512x1xf32>
    %eq3A_62 = vector.broadcast %broadcast_in_dim3A_61 : vector<512x1xf32> to vector<512x1024xf32>
    %eq3A_63 = arith.cmpf oeq, %select_n3A_54, %eq3A_62 : vector<512x1024xf32>
    %jit3A_64 = arith.constant 2.048000e+03 : f32
    %broadcast_in_dim3A_65 = vector.broadcast %jit3A_64 : f32 to vector<512x1024xf32>
    %select_n3A_66 = arith.select %eq3A_63, %select_n3A_55, %broadcast_in_dim3A_65 : vector<512x1024xi1>, vector<512x1024xf32>
    %reduce_min3A_67 = arith.constant dense<0x7F800000> : vector<512xf32>
    %reduce_min3A_68 = vector.multi_reduction <minimumf>, %select_n3A_66, %reduce_min3A_67 [1] : vector<512x1024xf32> to vector<512xf32>
    %broadcast_in_dim3A_69 = vector.shape_cast %reduce_min3A_68 : vector<512xf32> to vector<512x1xf32>
    %eq3A_70 = vector.broadcast %broadcast_in_dim3A_69 : vector<512x1xf32> to vector<512x1024xf32>
    %eq3A_71 = arith.cmpf oeq, %select_n3A_55, %eq3A_70 : vector<512x1024xf32>
    %select_n3A_72 = arith.select %eq3A_71, %select_n3A_58, %select_n3A_54 : vector<512x1024xi1>, vector<512x1024xf32>
    %select_n3A_73 = arith.select %eq3A_71, %select_n3A_41, %select_n3A_55 : vector<512x1024xi1>, vector<512x1024xf32>
    %jit3A_74 = arith.constant 0x7F800000 : f32
    %broadcast_in_dim3A_75 = vector.broadcast %jit3A_74 : f32 to vector<512x1024xf32>
    %select_n3A_76 = arith.select %eq3A_71, %broadcast_in_dim3A_75, %select_n3A_58 : vector<512x1024xi1>, vector<512x1024xf32>
    %reduce_min3A_77 = arith.constant dense<0x7F800000> : vector<512xf32>
    %reduce_min3A_78 = vector.multi_reduction <minimumf>, %select_n3A_72, %reduce_min3A_77 [1] : vector<512x1024xf32> to vector<512xf32>
    %broadcast_in_dim3A_79 = vector.shape_cast %reduce_min3A_78 : vector<512xf32> to vector<512x1xf32>
    %eq3A_80 = vector.broadcast %broadcast_in_dim3A_79 : vector<512x1xf32> to vector<512x1024xf32>
    %eq3A_81 = arith.cmpf oeq, %select_n3A_72, %eq3A_80 : vector<512x1024xf32>
    %jit3A_82 = arith.constant 2.048000e+03 : f32
    %broadcast_in_dim3A_83 = vector.broadcast %jit3A_82 : f32 to vector<512x1024xf32>
    %select_n3A_84 = arith.select %eq3A_81, %select_n3A_73, %broadcast_in_dim3A_83 : vector<512x1024xi1>, vector<512x1024xf32>
    %reduce_min3A_85 = arith.constant dense<0x7F800000> : vector<512xf32>
    %reduce_min3A_86 = vector.multi_reduction <minimumf>, %select_n3A_84, %reduce_min3A_85 [1] : vector<512x1024xf32> to vector<512xf32>
    %broadcast_in_dim3A_87 = vector.shape_cast %reduce_min3A_86 : vector<512xf32> to vector<512x1xf32>
    %eq3A_88 = vector.broadcast %broadcast_in_dim3A_87 : vector<512x1xf32> to vector<512x1024xf32>
    %eq3A_89 = arith.cmpf oeq, %select_n3A_73, %eq3A_88 : vector<512x1024xf32>
    %select_n3A_90 = arith.select %eq3A_89, %select_n3A_76, %select_n3A_72 : vector<512x1024xi1>, vector<512x1024xf32>
    %select_n3A_91 = arith.select %eq3A_89, %select_n3A_41, %select_n3A_73 : vector<512x1024xi1>, vector<512x1024xf32>
    %jit3A_92 = arith.constant 0x7F800000 : f32
    %broadcast_in_dim3A_93 = vector.broadcast %jit3A_92 : f32 to vector<512x1024xf32>
    %select_n3A_94 = arith.select %eq3A_89, %broadcast_in_dim3A_93, %select_n3A_76 : vector<512x1024xi1>, vector<512x1024xf32>
    %reduce_min3A_95 = arith.constant dense<0x7F800000> : vector<512xf32>
    %reduce_min3A_96 = vector.multi_reduction <minimumf>, %select_n3A_90, %reduce_min3A_95 [1] : vector<512x1024xf32> to vector<512xf32>
    %broadcast_in_dim3A_97 = vector.shape_cast %reduce_min3A_96 : vector<512xf32> to vector<512x1xf32>
    %eq3A_98 = vector.broadcast %broadcast_in_dim3A_97 : vector<512x1xf32> to vector<512x1024xf32>
    %eq3A_99 = arith.cmpf oeq, %select_n3A_90, %eq3A_98 : vector<512x1024xf32>
    %jit3A_100 = arith.constant 2.048000e+03 : f32
    %broadcast_in_dim3A_101 = vector.broadcast %jit3A_100 : f32 to vector<512x1024xf32>
    %select_n3A_102 = arith.select %eq3A_99, %select_n3A_91, %broadcast_in_dim3A_101 : vector<512x1024xi1>, vector<512x1024xf32>
    %reduce_min3A_103 = arith.constant dense<0x7F800000> : vector<512xf32>
    %reduce_min3A_104 = vector.multi_reduction <minimumf>, %select_n3A_102, %reduce_min3A_103 [1] : vector<512x1024xf32> to vector<512xf32>
    %broadcast_in_dim3A_105 = vector.shape_cast %reduce_min3A_104 : vector<512xf32> to vector<512x1xf32>
    %eq3A_106 = vector.broadcast %broadcast_in_dim3A_105 : vector<512x1xf32> to vector<512x1024xf32>
    %eq3A_107 = arith.cmpf oeq, %select_n3A_91, %eq3A_106 : vector<512x1024xf32>
    %select_n3A_108 = arith.select %eq3A_107, %select_n3A_94, %select_n3A_90 : vector<512x1024xi1>, vector<512x1024xf32>
    %select_n3A_109 = arith.select %eq3A_107, %select_n3A_41, %select_n3A_91 : vector<512x1024xi1>, vector<512x1024xf32>
    %jit3A_110 = arith.constant 0x7F800000 : f32
    %broadcast_in_dim3A_111 = vector.broadcast %jit3A_110 : f32 to vector<512x1024xf32>
    %select_n3A_112 = arith.select %eq3A_107, %broadcast_in_dim3A_111, %select_n3A_94 : vector<512x1024xi1>, vector<512x1024xf32>
    %reduce_min3A_113 = arith.constant dense<0x7F800000> : vector<512xf32>
    %reduce_min3A_114 = vector.multi_reduction <minimumf>, %select_n3A_108, %reduce_min3A_113 [1] : vector<512x1024xf32> to vector<512xf32>
    %broadcast_in_dim3A_115 = vector.shape_cast %reduce_min3A_114 : vector<512xf32> to vector<512x1xf32>
    %eq3A_116 = vector.broadcast %broadcast_in_dim3A_115 : vector<512x1xf32> to vector<512x1024xf32>
    %eq3A_117 = arith.cmpf oeq, %select_n3A_108, %eq3A_116 : vector<512x1024xf32>
    %jit3A_118 = arith.constant 2.048000e+03 : f32
    %broadcast_in_dim3A_119 = vector.broadcast %jit3A_118 : f32 to vector<512x1024xf32>
    %select_n3A_120 = arith.select %eq3A_117, %select_n3A_109, %broadcast_in_dim3A_119 : vector<512x1024xi1>, vector<512x1024xf32>
    %reduce_min3A_121 = arith.constant dense<0x7F800000> : vector<512xf32>
    %reduce_min3A_122 = vector.multi_reduction <minimumf>, %select_n3A_120, %reduce_min3A_121 [1] : vector<512x1024xf32> to vector<512xf32>
    %broadcast_in_dim3A_123 = vector.shape_cast %reduce_min3A_122 : vector<512xf32> to vector<512x1xf32>
    %eq3A_124 = vector.broadcast %broadcast_in_dim3A_123 : vector<512x1xf32> to vector<512x1024xf32>
    %eq3A_125 = arith.cmpf oeq, %select_n3A_109, %eq3A_124 : vector<512x1024xf32>
    %select_n3A_126 = arith.select %eq3A_125, %select_n3A_112, %select_n3A_108 : vector<512x1024xi1>, vector<512x1024xf32>
    %select_n3A_127 = arith.select %eq3A_125, %select_n3A_41, %select_n3A_109 : vector<512x1024xi1>, vector<512x1024xf32>
    %jit3A_128 = arith.constant 0x7F800000 : f32
    %broadcast_in_dim3A_129 = vector.broadcast %jit3A_128 : f32 to vector<512x1024xf32>
    %select_n3A_130 = arith.select %eq3A_125, %broadcast_in_dim3A_129, %select_n3A_112 : vector<512x1024xi1>, vector<512x1024xf32>
    %reduce_min3A_131 = arith.constant dense<0x7F800000> : vector<512xf32>
    %reduce_min3A_132 = vector.multi_reduction <minimumf>, %select_n3A_126, %reduce_min3A_131 [1] : vector<512x1024xf32> to vector<512xf32>
    %broadcast_in_dim3A_133 = vector.shape_cast %reduce_min3A_132 : vector<512xf32> to vector<512x1xf32>
    %eq3A_134 = vector.broadcast %broadcast_in_dim3A_133 : vector<512x1xf32> to vector<512x1024xf32>
    %eq3A_135 = arith.cmpf oeq, %select_n3A_126, %eq3A_134 : vector<512x1024xf32>
    %jit3A_136 = arith.constant 2.048000e+03 : f32
    %broadcast_in_dim3A_137 = vector.broadcast %jit3A_136 : f32 to vector<512x1024xf32>
    %select_n3A_138 = arith.select %eq3A_135, %select_n3A_127, %broadcast_in_dim3A_137 : vector<512x1024xi1>, vector<512x1024xf32>
    %reduce_min3A_139 = arith.constant dense<0x7F800000> : vector<512xf32>
    %reduce_min3A_140 = vector.multi_reduction <minimumf>, %select_n3A_138, %reduce_min3A_139 [1] : vector<512x1024xf32> to vector<512xf32>
    %broadcast_in_dim3A_141 = vector.shape_cast %reduce_min3A_140 : vector<512xf32> to vector<512x1xf32>
    %eq3A_142 = vector.broadcast %broadcast_in_dim3A_141 : vector<512x1xf32> to vector<512x1024xf32>
    %eq3A_143 = arith.cmpf oeq, %select_n3A_127, %eq3A_142 : vector<512x1024xf32>
    %select_n3A_144 = arith.select %eq3A_143, %select_n3A_130, %select_n3A_126 : vector<512x1024xi1>, vector<512x1024xf32>
    %select_n3A_145 = arith.select %eq3A_143, %select_n3A_41, %select_n3A_127 : vector<512x1024xi1>, vector<512x1024xf32>
    %jit3A_146 = arith.constant 0x7F800000 : f32
    %broadcast_in_dim3A_147 = vector.broadcast %jit3A_146 : f32 to vector<512x1024xf32>
    %select_n3A_148 = arith.select %eq3A_143, %broadcast_in_dim3A_147, %select_n3A_130 : vector<512x1024xi1>, vector<512x1024xf32>
    %reduce_min3A_149 = arith.constant dense<0x7F800000> : vector<512xf32>
    %reduce_min3A_150 = vector.multi_reduction <minimumf>, %select_n3A_144, %reduce_min3A_149 [1] : vector<512x1024xf32> to vector<512xf32>
    %broadcast_in_dim3A_151 = vector.shape_cast %reduce_min3A_150 : vector<512xf32> to vector<512x1xf32>
    %eq3A_152 = vector.broadcast %broadcast_in_dim3A_151 : vector<512x1xf32> to vector<512x1024xf32>
    %eq3A_153 = arith.cmpf oeq, %select_n3A_144, %eq3A_152 : vector<512x1024xf32>
    %jit3A_154 = arith.constant 2.048000e+03 : f32
    %broadcast_in_dim3A_155 = vector.broadcast %jit3A_154 : f32 to vector<512x1024xf32>
    %select_n3A_156 = arith.select %eq3A_153, %select_n3A_145, %broadcast_in_dim3A_155 : vector<512x1024xi1>, vector<512x1024xf32>
    %reduce_min3A_157 = arith.constant dense<0x7F800000> : vector<512xf32>
    %reduce_min3A_158 = vector.multi_reduction <minimumf>, %select_n3A_156, %reduce_min3A_157 [1] : vector<512x1024xf32> to vector<512xf32>
    %broadcast_in_dim3A_159 = vector.shape_cast %reduce_min3A_158 : vector<512xf32> to vector<512x1xf32>
    %eq3A_160 = vector.broadcast %broadcast_in_dim3A_159 : vector<512x1xf32> to vector<512x1024xf32>
    %eq3A_161 = arith.cmpf oeq, %select_n3A_145, %eq3A_160 : vector<512x1024xf32>
    %select_n3A_162 = arith.select %eq3A_161, %select_n3A_148, %select_n3A_144 : vector<512x1024xi1>, vector<512x1024xf32>
    %select_n3A_163 = arith.select %eq3A_161, %select_n3A_41, %select_n3A_145 : vector<512x1024xi1>, vector<512x1024xf32>
    %jit3A_164 = arith.constant 0x7F800000 : f32
    %broadcast_in_dim3A_165 = vector.broadcast %jit3A_164 : f32 to vector<512x1024xf32>
    %select_n3A_166 = arith.select %eq3A_161, %broadcast_in_dim3A_165, %select_n3A_148 : vector<512x1024xi1>, vector<512x1024xf32>
    %reduce_min3A_167 = arith.constant dense<0x7F800000> : vector<512xf32>
    %reduce_min3A_168 = vector.multi_reduction <minimumf>, %select_n3A_162, %reduce_min3A_167 [1] : vector<512x1024xf32> to vector<512xf32>
    %broadcast_in_dim3A_169 = vector.shape_cast %reduce_min3A_168 : vector<512xf32> to vector<512x1xf32>
    %eq3A_170 = vector.broadcast %broadcast_in_dim3A_169 : vector<512x1xf32> to vector<512x1024xf32>
    %eq3A_171 = arith.cmpf oeq, %select_n3A_162, %eq3A_170 : vector<512x1024xf32>
    %jit3A_172 = arith.constant 2.048000e+03 : f32
    %broadcast_in_dim3A_173 = vector.broadcast %jit3A_172 : f32 to vector<512x1024xf32>
    %select_n3A_174 = arith.select %eq3A_171, %select_n3A_163, %broadcast_in_dim3A_173 : vector<512x1024xi1>, vector<512x1024xf32>
    %reduce_min3A_175 = arith.constant dense<0x7F800000> : vector<512xf32>
    %reduce_min3A_176 = vector.multi_reduction <minimumf>, %select_n3A_174, %reduce_min3A_175 [1] : vector<512x1024xf32> to vector<512xf32>
    %broadcast_in_dim3A_177 = vector.shape_cast %reduce_min3A_176 : vector<512xf32> to vector<512x1xf32>
    %eq3A_178 = vector.broadcast %broadcast_in_dim3A_177 : vector<512x1xf32> to vector<512x1024xf32>
    %eq3A_179 = arith.cmpf oeq, %select_n3A_163, %eq3A_178 : vector<512x1024xf32>
    %select_n3A_180 = arith.select %eq3A_179, %select_n3A_166, %select_n3A_162 : vector<512x1024xi1>, vector<512x1024xf32>
    %select_n3A_181 = arith.select %eq3A_179, %select_n3A_41, %select_n3A_163 : vector<512x1024xi1>, vector<512x1024xf32>
    %jit3A_182 = arith.constant 0x7F800000 : f32
    %broadcast_in_dim3A_183 = vector.broadcast %jit3A_182 : f32 to vector<512x1024xf32>
    %select_n3A_184 = arith.select %eq3A_179, %broadcast_in_dim3A_183, %select_n3A_166 : vector<512x1024xi1>, vector<512x1024xf32>
    %reduce_min3A_185 = arith.constant dense<0x7F800000> : vector<512xf32>
    %reduce_min3A_186 = vector.multi_reduction <minimumf>, %select_n3A_180, %reduce_min3A_185 [1] : vector<512x1024xf32> to vector<512xf32>
    %broadcast_in_dim3A_187 = vector.shape_cast %reduce_min3A_186 : vector<512xf32> to vector<512x1xf32>
    %eq3A_188 = vector.broadcast %broadcast_in_dim3A_187 : vector<512x1xf32> to vector<512x1024xf32>
    %eq3A_189 = arith.cmpf oeq, %select_n3A_180, %eq3A_188 : vector<512x1024xf32>
    %jit3A_190 = arith.constant 2.048000e+03 : f32
    %broadcast_in_dim3A_191 = vector.broadcast %jit3A_190 : f32 to vector<512x1024xf32>
    %select_n3A_192 = arith.select %eq3A_189, %select_n3A_181, %broadcast_in_dim3A_191 : vector<512x1024xi1>, vector<512x1024xf32>
    %reduce_min3A_193 = arith.constant dense<0x7F800000> : vector<512xf32>
    %reduce_min3A_194 = vector.multi_reduction <minimumf>, %select_n3A_192, %reduce_min3A_193 [1] : vector<512x1024xf32> to vector<512xf32>
    %broadcast_in_dim3A_195 = vector.shape_cast %reduce_min3A_194 : vector<512xf32> to vector<512x1xf32>
    %eq3A_196 = vector.broadcast %broadcast_in_dim3A_195 : vector<512x1xf32> to vector<512x1024xf32>
    %eq3A_197 = arith.cmpf oeq, %select_n3A_181, %eq3A_196 : vector<512x1024xf32>
    %select_n3A_198 = arith.select %eq3A_197, %select_n3A_184, %select_n3A_180 : vector<512x1024xi1>, vector<512x1024xf32>
    %select_n3A_199 = arith.select %eq3A_197, %select_n3A_41, %select_n3A_181 : vector<512x1024xi1>, vector<512x1024xf32>
    %jit3A_200 = arith.constant 0x7F800000 : f32
    %broadcast_in_dim3A_201 = vector.broadcast %jit3A_200 : f32 to vector<512x1024xf32>
    %select_n3A_202 = arith.select %eq3A_197, %broadcast_in_dim3A_201, %select_n3A_184 : vector<512x1024xi1>, vector<512x1024xf32>
    %reduce_min3A_203 = arith.constant dense<0x7F800000> : vector<512xf32>
    %reduce_min3A_204 = vector.multi_reduction <minimumf>, %select_n3A_198, %reduce_min3A_203 [1] : vector<512x1024xf32> to vector<512xf32>
    %broadcast_in_dim3A_205 = vector.shape_cast %reduce_min3A_204 : vector<512xf32> to vector<512x1xf32>
    %eq3A_206 = vector.broadcast %broadcast_in_dim3A_205 : vector<512x1xf32> to vector<512x1024xf32>
    %eq3A_207 = arith.cmpf oeq, %select_n3A_198, %eq3A_206 : vector<512x1024xf32>
    %jit3A_208 = arith.constant 2.048000e+03 : f32
    %broadcast_in_dim3A_209 = vector.broadcast %jit3A_208 : f32 to vector<512x1024xf32>
    %select_n3A_210 = arith.select %eq3A_207, %select_n3A_199, %broadcast_in_dim3A_209 : vector<512x1024xi1>, vector<512x1024xf32>
    %reduce_min3A_211 = arith.constant dense<0x7F800000> : vector<512xf32>
    %reduce_min3A_212 = vector.multi_reduction <minimumf>, %select_n3A_210, %reduce_min3A_211 [1] : vector<512x1024xf32> to vector<512xf32>
    %broadcast_in_dim3A_213 = vector.shape_cast %reduce_min3A_212 : vector<512xf32> to vector<512x1xf32>
    %eq3A_214 = vector.broadcast %broadcast_in_dim3A_213 : vector<512x1xf32> to vector<512x1024xf32>
    %eq3A_215 = arith.cmpf oeq, %select_n3A_199, %eq3A_214 : vector<512x1024xf32>
    %select_n3A_216 = arith.select %eq3A_215, %select_n3A_202, %select_n3A_198 : vector<512x1024xi1>, vector<512x1024xf32>
    %select_n3A_217 = arith.select %eq3A_215, %select_n3A_41, %select_n3A_199 : vector<512x1024xi1>, vector<512x1024xf32>
    %jit3A_218 = arith.constant 0x7F800000 : f32
    %broadcast_in_dim3A_219 = vector.broadcast %jit3A_218 : f32 to vector<512x1024xf32>
    %select_n3A_220 = arith.select %eq3A_215, %broadcast_in_dim3A_219, %select_n3A_202 : vector<512x1024xi1>, vector<512x1024xf32>
    %reduce_min3A_221 = arith.constant dense<0x7F800000> : vector<512xf32>
    %reduce_min3A_222 = vector.multi_reduction <minimumf>, %select_n3A_216, %reduce_min3A_221 [1] : vector<512x1024xf32> to vector<512xf32>
    %broadcast_in_dim3A_223 = vector.shape_cast %reduce_min3A_222 : vector<512xf32> to vector<512x1xf32>
    %eq3A_224 = vector.broadcast %broadcast_in_dim3A_223 : vector<512x1xf32> to vector<512x1024xf32>
    %eq3A_225 = arith.cmpf oeq, %select_n3A_216, %eq3A_224 : vector<512x1024xf32>
    %jit3A_226 = arith.constant 2.048000e+03 : f32
    %broadcast_in_dim3A_227 = vector.broadcast %jit3A_226 : f32 to vector<512x1024xf32>
    %select_n3A_228 = arith.select %eq3A_225, %select_n3A_217, %broadcast_in_dim3A_227 : vector<512x1024xi1>, vector<512x1024xf32>
    %reduce_min3A_229 = arith.constant dense<0x7F800000> : vector<512xf32>
    %reduce_min3A_230 = vector.multi_reduction <minimumf>, %select_n3A_228, %reduce_min3A_229 [1] : vector<512x1024xf32> to vector<512xf32>
    %broadcast_in_dim3A_231 = vector.shape_cast %reduce_min3A_230 : vector<512xf32> to vector<512x1xf32>
    %eq3A_232 = vector.broadcast %broadcast_in_dim3A_231 : vector<512x1xf32> to vector<512x1024xf32>
    %eq3A_233 = arith.cmpf oeq, %select_n3A_217, %eq3A_232 : vector<512x1024xf32>
    %select_n3A_234 = arith.select %eq3A_233, %select_n3A_220, %select_n3A_216 : vector<512x1024xi1>, vector<512x1024xf32>
    %select_n3A_235 = arith.select %eq3A_233, %select_n3A_41, %select_n3A_217 : vector<512x1024xi1>, vector<512x1024xf32>
    %jit3A_236 = arith.constant 0x7F800000 : f32
    %broadcast_in_dim3A_237 = vector.broadcast %jit3A_236 : f32 to vector<512x1024xf32>
    %select_n3A_238 = arith.select %eq3A_233, %broadcast_in_dim3A_237, %select_n3A_220 : vector<512x1024xi1>, vector<512x1024xf32>
    %reduce_min3A_239 = arith.constant dense<0x7F800000> : vector<512xf32>
    %reduce_min3A_240 = vector.multi_reduction <minimumf>, %select_n3A_234, %reduce_min3A_239 [1] : vector<512x1024xf32> to vector<512xf32>
    %broadcast_in_dim3A_241 = vector.shape_cast %reduce_min3A_240 : vector<512xf32> to vector<512x1xf32>
    %eq3A_242 = vector.broadcast %broadcast_in_dim3A_241 : vector<512x1xf32> to vector<512x1024xf32>
    %eq3A_243 = arith.cmpf oeq, %select_n3A_234, %eq3A_242 : vector<512x1024xf32>
    %jit3A_244 = arith.constant 2.048000e+03 : f32
    %broadcast_in_dim3A_245 = vector.broadcast %jit3A_244 : f32 to vector<512x1024xf32>
    %select_n3A_246 = arith.select %eq3A_243, %select_n3A_235, %broadcast_in_dim3A_245 : vector<512x1024xi1>, vector<512x1024xf32>
    %reduce_min3A_247 = arith.constant dense<0x7F800000> : vector<512xf32>
    %reduce_min3A_248 = vector.multi_reduction <minimumf>, %select_n3A_246, %reduce_min3A_247 [1] : vector<512x1024xf32> to vector<512xf32>
    %broadcast_in_dim3A_249 = vector.shape_cast %reduce_min3A_248 : vector<512xf32> to vector<512x1xf32>
    %eq3A_250 = vector.broadcast %broadcast_in_dim3A_249 : vector<512x1xf32> to vector<512x1024xf32>
    %eq3A_251 = arith.cmpf oeq, %select_n3A_235, %eq3A_250 : vector<512x1024xf32>
    %select_n3A_252 = arith.select %eq3A_251, %select_n3A_238, %select_n3A_234 : vector<512x1024xi1>, vector<512x1024xf32>
    %select_n3A_253 = arith.select %eq3A_251, %select_n3A_41, %select_n3A_235 : vector<512x1024xi1>, vector<512x1024xf32>
    %jit3A_254 = arith.constant 0x7F800000 : f32
    %broadcast_in_dim3A_255 = vector.broadcast %jit3A_254 : f32 to vector<512x1024xf32>
    %select_n3A_256 = arith.select %eq3A_251, %broadcast_in_dim3A_255, %select_n3A_238 : vector<512x1024xi1>, vector<512x1024xf32>
    %reduce_min3A_257 = arith.constant dense<0x7F800000> : vector<512xf32>
    %reduce_min3A_258 = vector.multi_reduction <minimumf>, %select_n3A_252, %reduce_min3A_257 [1] : vector<512x1024xf32> to vector<512xf32>
    %broadcast_in_dim3A_259 = vector.shape_cast %reduce_min3A_258 : vector<512xf32> to vector<512x1xf32>
    %eq3A_260 = vector.broadcast %broadcast_in_dim3A_259 : vector<512x1xf32> to vector<512x1024xf32>
    %eq3A_261 = arith.cmpf oeq, %select_n3A_252, %eq3A_260 : vector<512x1024xf32>
    %jit3A_262 = arith.constant 2.048000e+03 : f32
    %broadcast_in_dim3A_263 = vector.broadcast %jit3A_262 : f32 to vector<512x1024xf32>
    %select_n3A_264 = arith.select %eq3A_261, %select_n3A_253, %broadcast_in_dim3A_263 : vector<512x1024xi1>, vector<512x1024xf32>
    %reduce_min3A_265 = arith.constant dense<0x7F800000> : vector<512xf32>
    %reduce_min3A_266 = vector.multi_reduction <minimumf>, %select_n3A_264, %reduce_min3A_265 [1] : vector<512x1024xf32> to vector<512xf32>
    %broadcast_in_dim3A_267 = vector.shape_cast %reduce_min3A_266 : vector<512xf32> to vector<512x1xf32>
    %eq3A_268 = vector.broadcast %broadcast_in_dim3A_267 : vector<512x1xf32> to vector<512x1024xf32>
    %eq3A_269 = arith.cmpf oeq, %select_n3A_253, %eq3A_268 : vector<512x1024xf32>
    %select_n3A_270 = arith.select %eq3A_269, %select_n3A_256, %select_n3A_252 : vector<512x1024xi1>, vector<512x1024xf32>
    %select_n3A_271 = arith.select %eq3A_269, %select_n3A_41, %select_n3A_253 : vector<512x1024xi1>, vector<512x1024xf32>
    %jit3A_272 = arith.constant 0x7F800000 : f32
    %broadcast_in_dim3A_273 = vector.broadcast %jit3A_272 : f32 to vector<512x1024xf32>
    %select_n3A_274 = arith.select %eq3A_269, %broadcast_in_dim3A_273, %select_n3A_256 : vector<512x1024xi1>, vector<512x1024xf32>
    %reduce_min3A_275 = arith.constant dense<0x7F800000> : vector<512xf32>
    %reduce_min3A_276 = vector.multi_reduction <minimumf>, %select_n3A_270, %reduce_min3A_275 [1] : vector<512x1024xf32> to vector<512xf32>
    %broadcast_in_dim3A_277 = vector.shape_cast %reduce_min3A_276 : vector<512xf32> to vector<512x1xf32>
    %eq3A_278 = vector.broadcast %broadcast_in_dim3A_277 : vector<512x1xf32> to vector<512x1024xf32>
    %eq3A_279 = arith.cmpf oeq, %select_n3A_270, %eq3A_278 : vector<512x1024xf32>
    %jit3A_280 = arith.constant 2.048000e+03 : f32
    %broadcast_in_dim3A_281 = vector.broadcast %jit3A_280 : f32 to vector<512x1024xf32>
    %select_n3A_282 = arith.select %eq3A_279, %select_n3A_271, %broadcast_in_dim3A_281 : vector<512x1024xi1>, vector<512x1024xf32>
    %reduce_min3A_283 = arith.constant dense<0x7F800000> : vector<512xf32>
    %reduce_min3A_284 = vector.multi_reduction <minimumf>, %select_n3A_282, %reduce_min3A_283 [1] : vector<512x1024xf32> to vector<512xf32>
    %broadcast_in_dim3A_285 = vector.shape_cast %reduce_min3A_284 : vector<512xf32> to vector<512x1xf32>
    %eq3A_286 = vector.broadcast %broadcast_in_dim3A_285 : vector<512x1xf32> to vector<512x1024xf32>
    %eq3A_287 = arith.cmpf oeq, %select_n3A_271, %eq3A_286 : vector<512x1024xf32>
    %select_n3A_288 = arith.select %eq3A_287, %select_n3A_274, %select_n3A_270 : vector<512x1024xi1>, vector<512x1024xf32>
    %select_n3A_289 = arith.select %eq3A_287, %select_n3A_41, %select_n3A_271 : vector<512x1024xi1>, vector<512x1024xf32>
    %jit3A_290 = arith.constant 0x7F800000 : f32
    %broadcast_in_dim3A_291 = vector.broadcast %jit3A_290 : f32 to vector<512x1024xf32>
    %select_n3A_292 = arith.select %eq3A_287, %broadcast_in_dim3A_291, %select_n3A_274 : vector<512x1024xi1>, vector<512x1024xf32>
    %reduce_min3A_293 = arith.constant dense<0x7F800000> : vector<512xf32>
    %reduce_min3A_294 = vector.multi_reduction <minimumf>, %select_n3A_288, %reduce_min3A_293 [1] : vector<512x1024xf32> to vector<512xf32>
    %broadcast_in_dim3A_295 = vector.shape_cast %reduce_min3A_294 : vector<512xf32> to vector<512x1xf32>
    %eq3A_296 = vector.broadcast %broadcast_in_dim3A_295 : vector<512x1xf32> to vector<512x1024xf32>
    %eq3A_297 = arith.cmpf oeq, %select_n3A_288, %eq3A_296 : vector<512x1024xf32>
    %jit3A_298 = arith.constant 2.048000e+03 : f32
    %broadcast_in_dim3A_299 = vector.broadcast %jit3A_298 : f32 to vector<512x1024xf32>
    %select_n3A_300 = arith.select %eq3A_297, %select_n3A_289, %broadcast_in_dim3A_299 : vector<512x1024xi1>, vector<512x1024xf32>
    %reduce_min3A_301 = arith.constant dense<0x7F800000> : vector<512xf32>
    %reduce_min3A_302 = vector.multi_reduction <minimumf>, %select_n3A_300, %reduce_min3A_301 [1] : vector<512x1024xf32> to vector<512xf32>
    %broadcast_in_dim3A_303 = vector.shape_cast %reduce_min3A_302 : vector<512xf32> to vector<512x1xf32>
    %eq3A_304 = vector.broadcast %broadcast_in_dim3A_303 : vector<512x1xf32> to vector<512x1024xf32>
    %eq3A_305 = arith.cmpf oeq, %select_n3A_289, %eq3A_304 : vector<512x1024xf32>
    %select_n3A_306 = arith.select %eq3A_305, %select_n3A_292, %select_n3A_288 : vector<512x1024xi1>, vector<512x1024xf32>
    %select_n3A_307 = arith.select %eq3A_305, %select_n3A_41, %select_n3A_289 : vector<512x1024xi1>, vector<512x1024xf32>
    %reduce_min3A_308 = arith.constant dense<0x7F800000> : vector<512xf32>
    %reduce_min3A_309 = vector.multi_reduction <minimumf>, %select_n3A_306, %reduce_min3A_308 [1] : vector<512x1024xf32> to vector<512xf32>
    %broadcast_in_dim3A_310 = vector.shape_cast %reduce_min3A_309 : vector<512xf32> to vector<512x1xf32>
    %eq3A_311 = vector.broadcast %broadcast_in_dim3A_310 : vector<512x1xf32> to vector<512x1024xf32>
    %eq3A_312 = arith.cmpf oeq, %select_n3A_306, %eq3A_311 : vector<512x1024xf32>
    %jit3A_313 = arith.constant 2.048000e+03 : f32
    %broadcast_in_dim3A_314 = vector.broadcast %jit3A_313 : f32 to vector<512x1024xf32>
    %select_n3A_315 = arith.select %eq3A_312, %select_n3A_307, %broadcast_in_dim3A_314 : vector<512x1024xi1>, vector<512x1024xf32>
    %reduce_min3A_316 = arith.constant dense<0x7F800000> : vector<512xf32>
    %reduce_min3A_317 = vector.multi_reduction <minimumf>, %select_n3A_315, %reduce_min3A_316 [1] : vector<512x1024xf32> to vector<512xf32>
    %broadcast_in_dim3A_318 = vector.shape_cast %reduce_min3A_317 : vector<512xf32> to vector<512x1xf32>
    %concatenate3A = tpu.concatenate %broadcast_in_dim3A_51, %broadcast_in_dim3A_69, %broadcast_in_dim3A_87, %broadcast_in_dim3A_105, %broadcast_in_dim3A_123, %broadcast_in_dim3A_141, %broadcast_in_dim3A_159, %broadcast_in_dim3A_177, %broadcast_in_dim3A_195, %broadcast_in_dim3A_213, %broadcast_in_dim3A_231, %broadcast_in_dim3A_249, %broadcast_in_dim3A_267, %broadcast_in_dim3A_285, %broadcast_in_dim3A_303, %broadcast_in_dim3A_318 in 1 : vector<512x1xf32>, vector<512x1xf32>, vector<512x1xf32>, vector<512x1xf32>, vector<512x1xf32>, vector<512x1xf32>, vector<512x1xf32>, vector<512x1xf32>, vector<512x1xf32>, vector<512x1xf32>, vector<512x1xf32>, vector<512x1xf32>, vector<512x1xf32>, vector<512x1xf32>, vector<512x1xf32>, vector<512x1xf32> -> vector<512x16xf32>
    %convert_element_type3A_319 = arith.fptosi %concatenate3A : vector<512x16xf32> to vector<512x16xi32>
    %swap3A = arith.constant 0 : index
    %swap3A_320 = arith.constant 0 : index
    %swap3A_321 = arith.constant 0 : index
    %swap3A_322 = vector.load %arg6[%swap3A, %swap3A_320, %swap3A_321] : memref<1x512x16xi32, #tpu.memory_space<vmem>>, vector<1x512x16xi32>
    %swap3A_323 = vector.shape_cast %swap3A_322 : vector<1x512x16xi32> to vector<512x16xi32>
    %swap3A_324 = vector.shape_cast %convert_element_type3A_319 : vector<512x16xi32> to vector<1x512x16xi32>
    tpu.vector_store %arg6[%swap3A, %swap3A_320, %swap3A_321], %swap3A_324 {strides = array<i32>} : memref<1x512x16xi32, #tpu.memory_space<vmem>>, vector<1x512x16xi32>,
    %mul3A_325 = arith.constant 2048 : i32
    %mul3A_326 = arith.muli %arg0, %mul3A_325 : i32
    %add3A_327 = vector.broadcast %mul3A_326 : i32 to vector<512x16xi32>
    %add3A_328 = arith.addi %convert_element_type3A_319, %add3A_327 : vector<512x16xi32>
    %swap3A_329 = arith.constant 0 : index
    %swap3A_330 = arith.constant 0 : index
    %swap3A_331 = arith.constant 0 : index
    %swap3A_332 = vector.load %arg7[%swap3A_329, %swap3A_330, %swap3A_331] : memref<1x512x16xi32, #tpu.memory_space<vmem>>, vector<1x512x16xi32>
    %swap3A_333 = vector.shape_cast %swap3A_332 : vector<1x512x16xi32> to vector<512x16xi32>
    %swap3A_334 = vector.shape_cast %add3A_328 : vector<512x16xi32> to vector<1x512x16xi32>
    tpu.vector_store %arg7[%swap3A_329, %swap3A_330, %swap3A_331], %swap3A_334 {strides = array<i32>} : memref<1x512x16xi32, #tpu.memory_space<vmem>>, vector<1x512x16xi32>,
    return
  }
  func.func @transform_0(%arg0: i32, %arg1: i32) -> (i32, i32, i32) {
    %c0_i32 = arith.constant 0 : i32
    %c0_i32_0 = arith.constant 0 : i32
    return %arg0, %arg1, %c0_i32 : i32, i32, i32
  }
  func.func @transform_1(%arg0: i32, %arg1: i32) -> (i32, i32, i32) {
    %c0_i32 = arith.constant 0 : i32
    %c0_i32_0 = arith.constant 0 : i32
    return %arg0, %arg1, %c0_i32 : i32, i32, i32
  }
  func.func @transform_2(%arg0: i32, %arg1: i32) -> (i32, i32, i32) {
    %c0_i32 = arith.constant 0 : i32
    %c0_i32_0 = arith.constant 0 : i32
    %c0_i32_1 = arith.constant 0 : i32
    return %arg0, %c0_i32, %c0_i32_0 : i32, i32, i32
  }
  func.func @transform_3(%arg0: i32, %arg1: i32) -> (i32, i32, i32) {
    %c0_i32 = arith.constant 0 : i32
    %c0_i32_0 = arith.constant 0 : i32
    %c0_i32_1 = arith.constant 0 : i32
    return %arg0, %c0_i32, %c0_i32_0 : i32, i32, i32
  }
  func.func @transform_4(%arg0: i32, %arg1: i32) -> (i32, i32, i32) {
    %c0_i32 = arith.constant 0 : i32
    %c0_i32_0 = arith.constant 0 : i32
    return %arg0, %arg1, %c0_i32 : i32, i32, i32
  }
  func.func @transform_5(%arg0: i32, %arg1: i32) -> (i32, i32, i32) {
    %c0_i32 = arith.constant 0 : i32
    %c0_i32_0 = arith.constant 0 : i32
    return %arg0, %arg1, %c0_i32 : i32, i32, i32
  }
}

module attributes {stable_mosaic.version = 14 : i64} {
  func.func @_rpe_body(%arg0: i32, %arg1: i32, %arg2: memref<1x512x1xf32, #tpu.memory_space<vmem>>, %arg3: memref<1x512x1xf32, #tpu.memory_space<vmem>>, %arg4: memref<1x512x16xf32, #tpu.memory_space<vmem>>, %arg5: memref<1x512x16xf32, #tpu.memory_space<vmem>>, %arg6: memref<32x1024xf32, #tpu.memory_space<vmem>>, %arg7: memref<2x1024xf32, #tpu.memory_space<vmem>>, %arg8: memref<1x512x1024xf32, #tpu.memory_space<vmem>>, %arg9: memref<1x512x16xf32, #tpu.memory_space<vmem>>) attributes {dimension_semantics = [#tpu.dimension_semantics<arbitrary>, #tpu.dimension_semantics<arbitrary>], iteration_bounds = array<i64: 4, 4>, scalar_prefetch = 0 : i64, scratch_operands = 0 : i64, tpu.core_type = #tpu.core_type<tc>, window_params = [{transform_indices = @transform_0, window_bounds = array<i64: 1, 512, 1>}, {transform_indices = @transform_1, window_bounds = array<i64: 1, 512, 1>}, {transform_indices = @transform_2, window_bounds = array<i64: 1, 512, 16>}, {transform_indices = @transform_3, window_bounds = array<i64: 1, 512, 16>}, {pipeline_mode = #tpu.pipeline_mode<synchronous>, transform_indices = @transform_4, window_bounds = array<i64: 32, 1024>}, {pipeline_mode = #tpu.pipeline_mode<synchronous>, transform_indices = @transform_5, window_bounds = array<i64: 2, 1024>}, {transform_indices = @transform_6, window_bounds = array<i64: 1, 512, 1024>}, {transform_indices = @transform_7, window_bounds = array<i64: 1, 512, 16>}]} {
    %get3A = arith.constant 0 : index
    %get3A_0 = arith.constant 0 : index
    %get3A_1 = arith.constant 0 : index
    %get3A_2 = vector.load %arg2[%get3A, %get3A_0, %get3A_1] : memref<1x512x1xf32, #tpu.memory_space<vmem>>, vector<1x512x1xf32>
    %get3A_3 = vector.shape_cast %get3A_2 : vector<1x512x1xf32> to vector<512x1xf32>
    %get3A_4 = arith.constant 0 : index
    %get3A_5 = arith.constant 0 : index
    %get3A_6 = arith.constant 0 : index
    %get3A_7 = vector.load %arg3[%get3A_4, %get3A_5, %get3A_6] : memref<1x512x1xf32, #tpu.memory_space<vmem>>, vector<1x512x1xf32>
    %get3A_8 = vector.shape_cast %get3A_7 : vector<1x512x1xf32> to vector<512x1xf32>
    %get3A_9 = arith.constant 0 : index
    %get3A_10 = arith.constant 0 : index
    %get3A_11 = arith.constant 0 : index
    %get3A_12 = vector.load %arg4[%get3A_9, %get3A_10, %get3A_11] : memref<1x512x16xf32, #tpu.memory_space<vmem>>, vector<1x512x16xf32>
    %get3A_13 = vector.shape_cast %get3A_12 : vector<1x512x16xf32> to vector<512x16xf32>
    %get3A_14 = arith.constant 0 : index
    %get3A_15 = arith.constant 0 : index
    %get3A_16 = arith.constant 0 : index
    %get3A_17 = vector.load %arg5[%get3A_14, %get3A_15, %get3A_16] : memref<1x512x16xf32, #tpu.memory_space<vmem>>, vector<1x512x16xf32>
    %get3A_18 = vector.shape_cast %get3A_17 : vector<1x512x16xf32> to vector<512x16xf32>
    %sub3A = vector.broadcast %get3A_3 : vector<512x1xf32> to vector<512x16xf32>
    %sub3A_19 = arith.subf %get3A_13, %sub3A : vector<512x16xf32>
    %sub3A_20 = vector.broadcast %get3A_8 : vector<512x1xf32> to vector<512x16xf32>
    %sub3A_21 = arith.subf %get3A_18, %sub3A_20 : vector<512x16xf32>
    %mul3A = arith.mulf %sub3A_19, %sub3A_19 : vector<512x16xf32>
    %mul3A_22 = arith.mulf %sub3A_21, %sub3A_21 : vector<512x16xf32>
    %add3A = arith.addf %mul3A, %mul3A_22 : vector<512x16xf32>
    %add3A_23 = arith.constant 9.99999993E-9 : f32
    %add3A_24 = vector.broadcast %add3A_23 : f32 to vector<512x16xf32>
    %add3A_25 = arith.addf %add3A, %add3A_24 : vector<512x16xf32>
    %sqrt3A = math.sqrt %add3A_25 : vector<512x16xf32>
    %swap3A = arith.constant 0 : index
    %swap3A_26 = arith.constant 0 : index
    %swap3A_27 = arith.constant 0 : index
    %swap3A_28 = vector.load %arg9[%swap3A, %swap3A_26, %swap3A_27] : memref<1x512x16xf32, #tpu.memory_space<vmem>>, vector<1x512x16xf32>
    %swap3A_29 = vector.shape_cast %swap3A_28 : vector<1x512x16xf32> to vector<512x16xf32>
    %swap3A_30 = vector.shape_cast %sqrt3A : vector<512x16xf32> to vector<1x512x16xf32>
    tpu.vector_store %arg9[%swap3A, %swap3A_26, %swap3A_27], %swap3A_30 {strides = array<i32>} : memref<1x512x16xf32, #tpu.memory_space<vmem>>, vector<1x512x16xf32>,
    %concatenate3A = tpu.concatenate %sub3A_19, %sub3A_21 in 1 : vector<512x16xf32>, vector<512x16xf32> -> vector<512x32xf32>
    %get3A_31 = arith.constant 0 : index
    %get3A_32 = arith.constant 0 : index
    %get3A_33 = vector.load %arg6[%get3A_31, %get3A_32] : memref<32x1024xf32, #tpu.memory_space<vmem>>, vector<32x1024xf32>
    %dot_general3A = arith.constant dense<0.000000e+00> : vector<512x1024xf32>
    %dot_general3A_34 = tpu.matmul %concatenate3A, %get3A_33, %dot_general3A {dimension_numbers = #tpu.dot_dimension_numbers<[1], [0], [0], [1], [0, 0, 1, 1], [], []>, precision = #tpu.contract_precision<fp32>, transpose_lhs_hint = false} : vector<512x32xf32>, vector<32x1024xf32>, vector<512x1024xf32> -> vector<512x1024xf32>
    %get3A_35 = arith.constant 0 : index
    %get3A_36 = arith.constant 0 : index
    %get3A_37 = vector.load %arg7[%get3A_35, %get3A_36] : memref<2x1024xf32, #tpu.memory_space<vmem>>, vector<2x1024xf32>
    %slice3A = vector.extract_strided_slice %get3A_37 {offsets = [0, 0], sizes = [1, 1024], strides = [1, 1]} : vector<2x1024xf32> to vector<1x1024xf32>
    %mul3A_38 = vector.broadcast %slice3A : vector<1x1024xf32> to vector<512x1024xf32>
    %mul3A_39 = arith.mulf %dot_general3A_34, %mul3A_38 : vector<512x1024xf32>
    %slice3A_40 = vector.extract_strided_slice %get3A_37 {offsets = [1, 0], sizes = [1, 1024], strides = [1, 1]} : vector<2x1024xf32> to vector<1x1024xf32>
    %add3A_41 = vector.broadcast %slice3A_40 : vector<1x1024xf32> to vector<512x1024xf32>
    %add3A_42 = arith.addf %mul3A_39, %add3A_41 : vector<512x1024xf32>
    %sin3A = math.sin %add3A_42 : vector<512x1024xf32>
    %swap3A_43 = arith.constant 0 : index
    %swap3A_44 = arith.constant 0 : index
    %swap3A_45 = arith.constant 0 : index
    %swap3A_46 = vector.load %arg8[%swap3A_43, %swap3A_44, %swap3A_45] : memref<1x512x1024xf32, #tpu.memory_space<vmem>>, vector<1x512x1024xf32>
    %swap3A_47 = vector.shape_cast %swap3A_46 : vector<1x512x1024xf32> to vector<512x1024xf32>
    %swap3A_48 = vector.shape_cast %sin3A : vector<512x1024xf32> to vector<1x512x1024xf32>
    tpu.vector_store %arg8[%swap3A_43, %swap3A_44, %swap3A_45], %swap3A_48 {strides = array<i32>} : memref<1x512x1024xf32, #tpu.memory_space<vmem>>, vector<1x512x1024xf32>,
    return
  }
  func.func @transform_0(%arg0: i32, %arg1: i32) -> (i32, i32, i32) {
    %c0_i32 = arith.constant 0 : i32
    %c0_i32_0 = arith.constant 0 : i32
    return %arg0, %arg1, %c0_i32 : i32, i32, i32
  }
  func.func @transform_1(%arg0: i32, %arg1: i32) -> (i32, i32, i32) {
    %c0_i32 = arith.constant 0 : i32
    %c0_i32_0 = arith.constant 0 : i32
    return %arg0, %arg1, %c0_i32 : i32, i32, i32
  }
  func.func @transform_2(%arg0: i32, %arg1: i32) -> (i32, i32, i32) {
    %c0_i32 = arith.constant 0 : i32
    %c0_i32_0 = arith.constant 0 : i32
    return %arg0, %arg1, %c0_i32 : i32, i32, i32
  }
  func.func @transform_3(%arg0: i32, %arg1: i32) -> (i32, i32, i32) {
    %c0_i32 = arith.constant 0 : i32
    %c0_i32_0 = arith.constant 0 : i32
    return %arg0, %arg1, %c0_i32 : i32, i32, i32
  }
  func.func @transform_4(%arg0: i32, %arg1: i32) -> (i32, i32) {
    %c0_i32 = arith.constant 0 : i32
    %c0_i32_0 = arith.constant 0 : i32
    %c0_i32_1 = arith.constant 0 : i32
    return %c0_i32, %c0_i32_0 : i32, i32
  }
  func.func @transform_5(%arg0: i32, %arg1: i32) -> (i32, i32) {
    %c0_i32 = arith.constant 0 : i32
    %c0_i32_0 = arith.constant 0 : i32
    %c0_i32_1 = arith.constant 0 : i32
    return %c0_i32, %c0_i32_0 : i32, i32
  }
  func.func @transform_6(%arg0: i32, %arg1: i32) -> (i32, i32, i32) {
    %c0_i32 = arith.constant 0 : i32
    %c0_i32_0 = arith.constant 0 : i32
    return %arg0, %arg1, %c0_i32 : i32, i32, i32
  }
  func.func @transform_7(%arg0: i32, %arg1: i32) -> (i32, i32, i32) {
    %c0_i32 = arith.constant 0 : i32
    %c0_i32_0 = arith.constant 0 : i32
    return %arg0, %arg1, %c0_i32 : i32, i32, i32
  }
}

</mosaic_0001>

<sc_bundles>
// kernel: kernel.5.cloned.1.call-start
scs
__scs_entry_jumppad:
0x0: {  	(pc) =	sbr.rel $0x88, $3  }
0x1: {  	(tag) =	ssettag $0x0;
	lr =	simm.s32 $0x1  }
0x2: {  	[smem:$0x3FA0] =	sst lr;
	_ =	strace $0xD0000000  }
0x3: {  	_ = 	snop  }
0x4: {  	_ = 	snop  }
0x5: {  	_ = 	snop  }
0x6: {  	_ = 	snop  }
0x7: {  	_ = 	snop  }
__scs_overlays_trampoline_lowered:
0x8: {  	[smem:$0x3FAF] =	sst s0  }
0x9: {  	[smem:$0x3FB0] =	sst s1  }
0xa: {  	[smem:$0x3FB1] =	sst s2  }
0xb: {  	[smem:$0x3FB2] =	sst s3  }
0xc: {  	[smem:$0x3FB3] =	sst s4  }
0xd: {  	[smem:$0x3FB4] =	sst s5  }
0xe: {  	[smem:$0x3FB5] =	sst s6  }
0xf: {  	[smem:$0x3FB6] =	sst s7  }
0x10: {  	[smem:$0x3FB7] =	sst s8  }
0x11: {  	[smem:$0x3FB8] =	sst s9;
	s0 =	simm.s32 @!p0 $0x0  }
0x12: {  	s1 =	sld [smem:$0x3F9E];
	s0 =	simm.s32 @p0 $0x1  }
0x13: {  	[smem:$0x3FB9] =	sst s0;
	s0 =	simm.s32 @!p1 $0x0  }
0x14: {  	s2 =	sld [smem:$0x3F9D];
	s0 =	simm.s32 @p1 $0x1  }
0x15: {  	[smem:$0x3FBA] =	sst s0;
	s0 =	simm.s32 @!p2 $0x0  }
0x16: {  	s3 =	sld [smem:$0x3FDB];
	s0 =	simm.s32 @p2 $0x1  }
0x17: {  	s4 =	simm.s32 $0x1BF5;
	[smem:$0x3FBC] =	sst s0  }
0x18: {  	s0 =	sld [smem:$0x3F9F];
	_ =	swait.ge [sflag:s4], $0x0  }
0x19: {  	s7 =	sld [smem:$0x3FA0]  }
0x1a: {  	s8 =	sadd.s32 $0xFFFFE003, lr  }
0x1b: {  	s9 =	sadd.s32 $0xFFFFFEF7, lr;
	s5 =	simm.s32 $0xFFFFFFFF;
	p2 =	slt.u32 s8, $0xFFFFF086  }
0x1c: {  	p1 =	slt.u32 s9, $0xF7A;
	s5 =	simm.s32 @!p2 $0x0  }
0x1d: {  	s5 =	simm.s32 @p1 $0x1;
	p0 =	seq.s32 s7, s2  }
0x1e: {  	s7 =	smul.u32 @!p0 $0xF7A, s2;
	p2 =	seq.s32 @!p0 s5, $0x0  }
0x1f: {  	s9 =	smul.u32 $0xF7A, s1;
	s8 =	simm.s32 @!p0 $0x1BF5;
	p2 =	por !p2, p0  }
0x20: {  	[sflag:s8] =	ssyncset.s32 @!p0 $0xFFFFF086;
	s6 =	sadd.s32 @!p0 s3, s7;
	s7 =	simm.s32 @!p0 $0x108  }
0x21: {  	s3 =	sadd.s32 s3, s9;
	s6 =	sadd.s32 @!p0 $0x88, s6;
	s7 =	simm.s32 @p2 $0x1082  }
0x22: {  	[simem:s7], [sflag:s8] =	dma.local @!p0 [hbm:s6], $0xF7A  }
0x23: {  	s9 =	sor.u32 $0xD0000000, s2;
	s6 =	simm.s32 $0x108;
	_ =	swait.ge @!p0 [sflag:s8], $0x0  }
0x24: {  	s3 =	sadd.s32 $0x88, s3;
	s6 =	simm.s32 @!p1 $0x1082;
	[sflag:s4] =	ssyncset.s32 $0xFFFFF086  }
0x25: {  	[simem:s6], [sflag:s4] =	dma.local [hbm:s3], $0xF7A  }
0x26: {  	[smem:$0x3FA0] =	sst s1;
	(tag) =	ssettag s2;
	_ =	strace s9  }
0x27: {  	s1 =	sld [smem:$0x3FB0]  }
0x28: {  	s2 =	sld [smem:$0x3FB1]  }
0x29: {  	s4 =	sld [smem:$0x3FB3]  }
0x2a: {  	p0 =	seq.s32 s5, $0x0;
	s5 =	sld [smem:$0x3FB4]  }
0x2b: {  	s6 =	sld [smem:$0x3FB5]  }
0x2c: {  	s7 =	sld [smem:$0x3FB6]  }
0x2d: {  	s3 =	simm.s32 $0x108;
	s8 =	sld [smem:$0x3FB7]  }
0x2e: {  	s3 =	simm.s32 @!p0 $0x1082;
	s9 =	sld [smem:$0x3FB8]  }
0x2f: {  	lr =	sadd.s32 s0, s3;
	s0 =	sld [smem:$0x3FAF]  }
0x30: {  	s3 =	sld [smem:$0x3FB2]  }
0x31: {  	[smem:$0x3FBB] =	sst s10  }
0x32: {  	s10 =	sld [smem:$0x3FB9];
	_ =	sdelay $0x3  }
0x33: {  	p0 =	seq.s32 s10, $0x1;
	s10 =	sld [smem:$0x3FBB];
	_ =	sdelay $0x3  }
0x34: {  	[smem:$0x3FBB] =	sst s10  }
0x35: {  	s10 =	sld [smem:$0x3FBA];
	_ =	sdelay $0x3  }
0x36: {  	p1 =	seq.s32 s10, $0x1;
	s10 =	sld [smem:$0x3FBB];
	_ =	sdelay $0x3  }
0x37: {  	[smem:$0x3FBB] =	sst s10  }
0x38: {  	s10 =	sld [smem:$0x3FBC]  }
0x39: {  	_ = 	snop;
	(pc) =	sbr.ind lr, $3  }
0x3a: {  	_ = 	snop  }
0x3b: {  	_ = 	snop  }
0x3c: {  	p2 =	seq.s32 s10, $0x1;
	s10 =	sld [smem:$0x3FBB]  }
0x3d: {  	_ =	shalt  }
0x3e: {  	_ =	shalt  }
0x3f: {  	_ =	shalt  }
0x40: {  	_ =	shalt  }
0x41: {  	_ =	shalt  }
0x42: {  	_ =	shalt  }
0x43: {  	_ =	shalt  }
0x44: {  	_ =	shalt  }
0x45: {  	_ =	shalt  }
0x46: {  	_ =	shalt  }
0x47: {  	_ =	shalt  }
0x48: {  	_ =	shalt  }
0x49: {  	_ =	shalt  }
0x4a: {  	_ =	shalt  }
0x4b: {  	_ =	shalt  }
0x4c: {  	_ =	shalt  }
0x4d: {  	_ =	shalt  }
0x4e: {  	_ =	shalt  }
0x4f: {  	_ =	shalt  }
0x50: {  	_ =	shalt  }
0x51: {  	_ =	shalt  }
0x52: {  	_ =	shalt  }
0x53: {  	_ =	shalt  }
0x54: {  	_ =	shalt  }
0x55: {  	_ =	shalt  }
0x56: {  	_ =	shalt  }
0x57: {  	_ =	shalt  }
0x58: {  	_ =	shalt  }
0x59: {  	_ =	shalt  }
0x5a: {  	_ =	shalt  }
0x5b: {  	_ =	shalt  }
0x5c: {  	_ =	shalt  }
0x5d: {  	_ =	shalt  }
0x5e: {  	_ =	shalt  }
0x5f: {  	_ =	shalt  }
0x60: {  	_ =	shalt  }
0x61: {  	_ =	shalt  }
0x62: {  	_ =	shalt  }
0x63: {  	_ =	shalt  }
0x64: {  	_ =	shalt  }
0x65: {  	_ =	shalt  }
0x66: {  	_ =	shalt  }
0x67: {  	_ =	shalt  }
0x68: {  	_ =	shalt  }
0x69: {  	_ =	shalt  }
0x6a: {  	_ =	shalt  }
0x6b: {  	_ =	shalt  }
0x6c: {  	_ =	shalt  }
0x6d: {  	_ =	shalt  }
0x6e: {  	_ =	shalt  }
0x6f: {  	_ =	shalt  }
0x70: {  	_ =	shalt  }
0x71: {  	_ =	shalt  }
0x72: {  	_ =	shalt  }
0x73: {  	_ =	shalt  }
0x74: {  	_ =	shalt  }
0x75: {  	_ =	shalt  }
0x76: {  	_ =	shalt  }
0x77: {  	_ =	shalt  }
0x78: {  	_ =	shalt  }
0x79: {  	_ =	shalt  }
0x7a: {  	_ =	shalt  }
0x7b: {  	_ =	shalt  }
0x7c: {  	_ =	shalt  }
0x7d: {  	_ =	shalt  }
0x7e: {  	_ =	shalt  }
0x7f: {  	_ =	shalt  }
0x80: {  	_ =	shalt  }
0x81: {  	_ =	shalt  }
0x82: {  	_ =	shalt  }
0x83: {  	_ =	shalt  }
0x84: {  	_ =	shalt  }
0x85: {  	_ =	shalt  }
0x86: {  	_ =	shalt  }
0x87: {  	_ =	shalt  }
.Lfunc_end0:
.L_simem_size_0:
called_computation_lowered:
.L_overlay_start_0:
0x88: {  	s2 =	sld [smem:$0x3FD9]  }
0x89: {  	s3 =	sld [smem:$0x3FFE];
	_ =	sdelay $0x1  }
0x8a: {  	s1 =	srdreg.scid  }
0x8b: {  	s0 =	sand.u32 $0x1, s1  }
0x8c: {  	s14 =	sshll.u32 s0, $0xA;
	s2 =	sadd.s32 s3, s2  }
0x8d: {  	s2 =	sadd.s32 s2, s14  }
0x8e: {  	[smem:$0x3FC7] =	sst s2  }
0x8f: {  	_ = 	snop  }
0x90: {  	s2 =	sld [smem:$0x3FD0];
	_ =	sdelay $0x2  }
0x91: {  	s15 =	simm.s32 $0xA;
	s4 =	simm.s32 $0x10  }
0x92: {  	[smem:s4], [sflag:s15] =	dma.local [hbm:s2], $0x1  }
0x93: {  	_ =	swait.eq [sflag:s15], $0x1  }
0x94: {  	s16 =	sld [smem:$0x11]  }
0x95: {  	s17 =	sld [smem:$0x12];
	[sflag:s15] =	ssyncset.done $0x0  }
0x96: {  	s5 =	sld [smem:$0x13];
	[sflag:s15] =	ssyncadd.s32 $0xFFFFFFFF  }
0x97: {  	s18 =	sld [smem:$0x14];
	(tm) =	ssettm $0x1  }
0x98: {  	s6 =	sld [smem:$0x3FFB];
	_ =	sdelay $0x3  }
0x99: {  	_ =	strace s6  }
0x9a: {  	s6 =	sld [smem:$0x3FFC];
	_ =	sdelay $0x3  }
0x9b: {  	_ =	strace s6  }
0x9c: {  	s6 =	sld [smem:$0x3FFD];
	_ =	sdelay $0x3  }
0x9d: {  	_ =	strace s6  }
0x9e: {  	_ =	strace $0x8FFFFFFF  }
0x9f: {  	s19 =	sld [smem:$0x3FDB];
	_ =	sdelay $0x1  }
0xa0: {  	s7 =	simm.s32 $_scs_section_size  }
0xa1: {  	s8 =	simm.s32 $_size__tile_overlayer_lowered;
	s9 =	simm.s32 $_tile_overlayer_lowered  }
0xa2: {  	s22 =	simm.s32 $0x1BFF;
	s21 =	sshll.u32 s9, $0x1;
	s6 =	sadd.s32 s7, s19  }
0xa3: {  	s10 =	simm.s32 $0x0;
	s20 =	sshll.u32 s8, $0x1;
	s8 =	sadd.s32 s21, s6  }
0xa4: {  	[timem:s10], [sflag:s22] =	dma.local [hbm:s8], s20  }
0xa5: {  	_ =	swait.ge [sflag:s22], s20  }
0xa6: {  	s7 =	ssub.s32 $0x0, s20;
	[sflag:s22] =	ssyncset.done $0x0  }
0xa7: {  	[sflag:s22] =	ssyncadd.s32 s7;
	_ =	sdelay $0x1  }
0xa8: {  	s23 =	simm.s32 $0x1B8B  }
0xa9: {  	_ =	swait.ge [sflag:s23], $0x1  }
0xaa: {  	[sflag:s23] =	ssyncset.done $0x0  }
0xab: {  	s25 =	simm.s32 $0x1B8E;
	s24 =	sld [smem:$0x3FFE];
	[sflag:s23] =	ssyncadd.s32 $0xFFFFFFFF  }
0xac: {  	s26 =	simm.s32 $execute0_lowered;
	[smem:$0x3FD2] =	sst s25  }
0xad: {  	s8 =	sshll.u32 s26, $0x1;
	_ =	strace $0x80000046;
	[dreg:$0x1] =	wrdreg $0xFFFFFFFF  }
0xae: {  	s28 =	simm.s32 $_size_execute0_lowered;
	s6 =	sadd.s32 s6, s8;
	[dreg:$0x0] =	wrdreg $0x0  }
0xaf: {  	s8 =	sshll.u32 s28, $0x1;
	[dreg:$0x2] =	wrdreg s6  }
0xb0: {  	[dreg:$0x3] =	wrdreg s8  }
0xb1: {  	[dreg:$0x4] =	wrdreg $0xC0  }
0xb2: {  	_ =	task [dreg:s10], $0x5FFFF  }
0xb3: {  	[dreg:$0x1] =	wrdreg $0xFFFFFFFF  }
0xb4: {  	[dreg:$0x0] =	wrdreg $0x60  }
0xb5: {  	[dreg:$0x2] =	wrdreg s5  }
0xb6: {  	[dreg:$0x3] =	wrdreg s16  }
0xb7: {  	[dreg:$0x4] =	wrdreg s24  }
0xb8: {  	[dreg:$0x5] =	wrdreg s18  }
0xb9: {  	[dreg:$0x6] =	wrdreg s17  }
0xba: {  	[dreg:$0x7] =	wrdreg $0x9  }
0xbb: {  	_ =	task.clear_ibuf [dreg:s10], $0x8FFFF;
	_ =	strace $0x90000046  }
0xbc: {  	s29 =	simm.s32 $0x9;
	_ =	strace $0x80000048  }
0xbd: {  	_ =	swait.ge [sflag:s29], $0x1  }
0xbe: {  	[sflag:s29] =	ssyncadd.s32 $0xFFFFFFFF  }
0xbf: {  	_ =	strace $0x90000048  }
0xc0: {  	_ =	sfence  }
0xc1: {  	s30 =	sld [smem:$0x0];
	_ =	sdelay $0x2  }
0xc2: {  	s31 =	sshll.u32 s1, $0xD;
	s1 =	sshrl.u32 s1, $0x2  }
0xc3: {  	s3 =	sand.u32 $0x4000, s31;
	s1 =	sadd.s32 s1, s30  }
0xc4: {  	s0 =	sor.u32 s3, s0;
	s1 =	sshll.u32 s1, $0x11  }
0xc5: {  	s0 =	sor.u32 s1, s0  }
0xc6: {  	s0 =	sadd.s32 $0x8F2B, s0  }
0xc7: {  	[sflag:s0] =	ssyncadd.remote.s32 $0x1  }
0xc8: {  	_ =	sfence.sel $0xFFFF  }
0xc9: {  	[dreg:$0x0] =	wrdreg $0xFFFFFFFF;
	(pc) =	sbr.abs _section_cstart, $3  }
0xca: {  	[dreg:$0x1] =	wrdreg $0xFFFFFFFF  }
0xcb: {  	_ =	task.clear_ibuf [dreg:s10], $0x2FFFF;
	_ =	strace $0x9FFFFFFF  }
0xcc: {  	(tm) =	ssettm $0x7FFFFFFF  }
0xcd: {  	_ =	shalt  }
tec
execute0_lowered:
.L_overlay_start_1:
0x0: {  	(tag) =	ssettag $0x1  }
0x1: {  	s5 =	rddreg [dreg:$0x0]  }
0x2: {  	s1 =	rddreg [dreg:$0x1]  }
0x3: {  	s2 =	rddreg [dreg:$0x2]  }
0x4: {  	s6 =	rddreg [dreg:$0x3]  }
0x5: {  	s7 =	rddreg [dreg:$0x4]  }
0x6: {  	s0 =	rddreg [dreg:$0x5];
	s8 =	srdreg.scid  }
0x7: {  	s4 =	simm.s32 $0x0;
	s3 =	stileid.u32;
	s12 =	simm.s32 $0x5000  }
0x8: {  	s13 =	simm.s32 $0x6000;
	s14 =	simm.s32 $0x0;
	s8 =	sand.u32 $0x1, s8  }
0x9: {  	s10 =	sshll.u32 s3, $0xA;
	[smem:$0x7FF] =	sst s4;
	s9 =	ssub.s32 $0x2, s8  }
0xa: {  	s8 =	sshll.u32 s8, $0x9;
	_ =	strace $0x80000047;
	s11 =	sshrl.u32 s9, $0x1  }
0xb: {  	s8 =	sor.u32 s8, s10;
	s10 =	simm.s32 $0x1000;
	s9 =	ssub.s32 s9, s11  }
0xc: {  	s5 =	sadd.s32 s5, s8;
	s6 =	sadd.s32 s6, s8;
	s7 =	sadd.s32 s7, s8  }
0xd: {  	s11 =	simm.s32 $0x3000;
	s8 =	smax.u32 s9, $0x1;
	s9 =	simm.s32 $0x1  }
.LBB2_1:
0xe: {  	[tilespmem:s4], [sflag:$0x1] =	stream.linear.gather [hbm4b:s5+s4], $0x1000, $0x38;
	[tilespmem:$0x7000] =	vst v63  }
0xf: {  	_ =	swait.ge [sflag:s9], $0x1000  }
0x10: {  	[sflag:s9] =	ssyncset.done $0x0  }
0x11: {  	[sflag:s9] =	ssyncadd.s32 $0xFFFFF000  }
0x12: {  	[tilespmem:s10], [sflag:$0x1] =	stream.linear.gather [hbm4b:s1+s4], $0x2000, $0x38;
	[tilespmem:$0x7000] =	vst v63  }
0x13: {  	_ =	swait.ge [sflag:s9], $0x2000  }
0x14: {  	[sflag:s9] =	ssyncset.done $0x0  }
0x15: {  	[sflag:s9] =	ssyncadd.s32 $0xFFFFE000  }
0x16: {  	[tilespmem:s11], [sflag:$0x1] =	stream.linear.gather [hbm4b:s2+s4], $0x2000, $0x38;
	[tilespmem:$0x7000] =	vst v63  }
0x17: {  	_ =	swait.ge [sflag:s9], $0x2000  }
0x18: {  	[sflag:s9] =	ssyncset.done $0x0  }
0x19: {  	s15 =	simm.s32 $0x0;
	[sflag:s9] =	ssyncadd.s32 $0xFFFFE000  }
0x1a: {  	v0 =	vld [tilespmem:s15+$0x0];
	_ =	sdelay $0x7  }
0x1b: {  	v1 =	vld.idx.msk [tilespmem:v0+s10+$0x0], $0xffff;
	_ =	sdelay $0x3  }
0x1c: {  	s16 =	simm.s32 $0x10;
	s17 =	simm.s32 $0x80  }
.LBB2_2:
0x1d: {  	p0 =	sne.s32 s17, $0x3FC0;
	v2 =	vld [tilespmem:s16+$0x0];
	[tilespmem:s15+$0x5000] =	vst v1  }
0x1e: {  	v1 =	vld.idx.msk [tilespmem:v0+s11+$0x0], $0xffff;
	_ =	sdelay $0x3  }
0x1f: {  	v0 =	vmov v2;
	_ =	sdelay $0x1  }
0x20: {  	[tilespmem:s15+$0x6000] =	vst v1;
	s15 =	smov.u32 s16  }
0x21: {  	v1 =	vld.idx.msk [tilespmem:v2+s10+$0x0], $0xffff  }
.Ltmp0:
0x22: {  	(pc) =	sbr.rel @p0 .LBB2_2-.Ltmp0, $2  }
0x23: {  	_ =	sdelay $0x2  }
0x24: {  	s16 =	sshra.s32 s17, $0x2;
	s17 =	sadd.s32 $0x40, s17  }
0x25: {  	_ =	sdelay $0x1  }
0x26: {  	v2 =	vld [tilespmem:s16+$0x0]  }
0x27: {  	[tilespmem:s15+$0x5000] =	vst v1  }
0x28: {  	v0 =	vld.idx.msk [tilespmem:v0+s11+$0x0], $0xffff;
	_ =	sdelay $0x4  }
0x29: {  	[tilespmem:s15+$0x6000] =	vst v0  }
0x2a: {  	v0 =	vld.idx.msk [tilespmem:v2+s10+$0x0], $0xffff;
	_ =	sdelay $0x4  }
0x2b: {  	[tilespmem:s16+$0x5000] =	vst v0  }
0x2c: {  	v0 =	vld.idx.msk [tilespmem:v2+s11+$0x0], $0xffff;
	_ =	sdelay $0x4  }
0x2d: {  	[tilespmem:s16+$0x6000] =	vst v0  }
0x2e: {  	[hbm4b:s6+s4] =	stream.linear.scatter [tilespmem:s12], [sflag:$0x1], $0x1000, $0x38;
	[tilespmem:$0x7000] =	vst v63  }
0x2f: {  	s14 =	sadd.s32 $0x1, s14;
	_ =	swait.ge [sflag:s9], $0x1000  }
0x30: {  	p0 =	sne.s32 s14, s8;
	[sflag:s9] =	ssyncset.done $0x0  }
.Ltmp1:
0x31: {  	[sflag:s9] =	ssyncadd.s32 $0xFFFFF000;
	(pc) =	sbr.rel @p0 .LBB2_1-.Ltmp1, $4  }
0x32: {  	[hbm4b:s7+s4] =	stream.linear.scatter [tilespmem:s13], [sflag:$0x1], $0x1000, $0x38;
	[tilespmem:$0x7000] =	vst v63  }
0x33: {  	_ =	swait.ge [sflag:s9], $0x1000  }
0x34: {  	[sflag:s9] =	ssyncset.done $0x0  }
0x35: {  	[sflag:s9] =	ssyncadd.s32 $0xFFFFF000  }
0x36: {  	_ =	sfence.sel $0x180000  }
0x37: {  	[bflag:$0x0] =	sbarrier.arrive $0xFFFF  }
0x38: {  	p0 =	sne.s32 s3, $0x0;
	_ =	strace $0x90000047  }
0x39: {  	s0 =	sadd.s32 @!p0 $0x100000, s0;
	[bflag:$0x2] =	sbarrier.arrive $0xFFFF  }
0x3a: {  	[sflag:s0] =	ssyncadd.tile.s32 @!p0 $0x1;
	_ =	shalt  }
.Lfunc_end2:
_tile_overlayer_lowered:
.L_overlay_start_2:
0x3b: {  	(tag) =	ssettag $0x2  }
0x3c: {  	s0 =	rddreg [dreg:$0x0];
	s2 =	stileid.u32  }
0x3d: {  	s1 =	rddreg [dreg:$0x1];
	p0 =	sne.s32 s2, $0x0  }
0x3e: {  	s3 =	rddreg [dreg:$0x2];
	[bflag:$0x3] =	sbarrier.arrive $0xFFFF;
	s2 =	simm.s32 @!p0 $0x1C01  }
0x3f: {  	[timem:s3], [sflag:s2] =	dma.local @!p0 [hbm:s0], s1  }
0x40: {  	s0 =	simm.s32 @!p0 $0x1  }
0x41: {  	_ =	swait.ge @!p0 [sflag:s0], s1  }
0x42: {  	s1 =	ssub.s32 @!p0 $0x0, s1;
	[sflag:s0] =	ssyncset.done @!p0 $0x0  }
0x43: {  	[sflag:s0] =	ssyncadd.s32 @!p0 s1  }
0x44: {  	[bflag:$0x3] =	sbarrier.arrive $0xFFFF  }
0x45: {  	_ =	shalt  }

</sc_bundles>
